<compile_context>
chip_gen: v7x
topology: tpu7x:2x2x1
jax: 0.10.2.dev20260603
libtpu: 0.0.44.dev20260713+nightly
codegen_flags: <defaults>
</compile_context>

<pallas_src>
import functools

import jax
import jax.numpy as jnp
from jax import lax
from jax.experimental import pallas as pl
from jax.experimental.pallas import tpu as pltpu
from jax.experimental.pallas import tpu_sc as plsc

DIM = 32
BATCH = 16384
L = 16
NC = 2
NS = 16
NW = NC * NS
BPW = BATCH // NW
CHUNK = 128
NCH = BPW // CHUNK

_mesh = plsc.VectorSubcoreMesh(core_axis_name="c", subcore_axis_name="s")


@functools.partial(
    pl.kernel,
    out_type=jax.ShapeDtypeStruct((BATCH,), jnp.float32),
    mesh=_mesh,
    scratch_types=[
        pltpu.VMEM((3, NCH, CHUNK), jnp.int32),
        pltpu.VMEM((BPW, DIM), jnp.float32),
        pltpu.VMEM((BPW, DIM), jnp.float32),
        pltpu.VMEM((BPW, DIM), jnp.float32),
        pltpu.VMEM((BPW,), jnp.float32),
        pltpu.SemaphoreType.DMA,
    ],
    compiler_params=pltpu.CompilerParams(
        needs_layout_passes=False, use_tc_tiling_on_sc=False),
)
def _transe_sc(ent, rel, idx, out, idx_v, r1_v, rr_v, r2_v, out_v, sem):
    wid = lax.axis_index("s") * NC + lax.axis_index("c")
    base = wid * BPW

    pltpu.sync_copy(idx.at[wid], idx_v)

    copies = []
    for k in range(NCH):
        dst = pl.ds(k * CHUNK, CHUNK)
        copies.append(pltpu.async_copy(ent.at[idx_v.at[0, k]], r1_v.at[dst], sem))
        copies.append(pltpu.async_copy(rel.at[idx_v.at[1, k]], rr_v.at[dst], sem))
        copies.append(pltpu.async_copy(ent.at[idx_v.at[2, k]], r2_v.at[dst], sem))
    for c in copies:
        c.wait()

    cols = [jnp.full((L,), j, jnp.int32) for j in range(DIM)]

    def group(g, carry):
        rows = g * L + lax.iota(jnp.int32, L)
        n1 = jnp.zeros((L,), jnp.float32)
        nr = jnp.zeros((L,), jnp.float32)
        n2 = jnp.zeros((L,), jnp.float32)
        for j in range(DIM):
            n1 = n1 + jnp.abs(plsc.load_gather(r1_v, [rows, cols[j]]))
            nr = nr + jnp.abs(plsc.load_gather(rr_v, [rows, cols[j]]))
            n2 = n2 + jnp.abs(plsc.load_gather(r2_v, [rows, cols[j]]))
        s1 = 1.0 / n1
        sr = 1.0 / nr
        s2 = 1.0 / n2
        acc = jnp.zeros((L,), jnp.float32)
        for j in range(DIM):
            a = plsc.load_gather(r1_v, [rows, cols[j]])
            b = plsc.load_gather(rr_v, [rows, cols[j]])
            d = plsc.load_gather(r2_v, [rows, cols[j]])
            acc = acc + jnp.abs(a * s1 + b * sr - d * s2)
        out_v[pl.ds(g * L, L)] = acc
        return carry

    lax.fori_loop(0, BPW // L, group, 0)

    pltpu.sync_copy(out_v, out.at[pl.ds(base, BPW)])


@jax.jit
def kernel(batch_inputs, entity_weight, relation_weight):
    bi = batch_inputs.astype(jnp.int32)
    idx = bi.reshape(NW, NCH, CHUNK, 3).transpose(0, 3, 1, 2)
    return _transe_sc(entity_weight, relation_weight, idx)

# --- scband reference (transcript-rebuilt; emitter-appended) ---
"""Pipeline reference for scband-trans-e-67912022884740 (READ-ONLY COPY).

The authoritative reference and input builder live on the scoring server;
editing this copy changes nothing except your own understanding.
"""

import jax, jax.numpy as jnp
import numpy as np

NUM_ENTITIES = 1000000
NUM_RELATIONS = 1000000
DIM = 32
BATCH = 16384


def setup_inputs(seed: int = 0) -> dict:
    key = jax.random.key(seed)
    k1, k2, k3 = jax.random.split(key, 3)
    batch_inputs = jax.random.randint(k1, (BATCH, 3), 0, NUM_ENTITIES, dtype=jnp.int64 if jax.config.jax_enable_x64 else jnp.int32)
    # Xavier-uniform init with gain=1.414 (matches nn.init.xavier_uniform_)
    gain = 1.414
    bound_e = gain * np.sqrt(6.0 / (NUM_ENTITIES + DIM))
    bound_r = gain * np.sqrt(6.0 / (NUM_RELATIONS + DIM))
    entity_weight = jax.random.uniform(k2, (NUM_ENTITIES, DIM), dtype=jnp.float32, minval=-bound_e, maxval=bound_e)
    relation_weight = jax.random.uniform(k3, (NUM_RELATIONS, DIM), dtype=jnp.float32, minval=-bound_r, maxval=bound_r)
    return {"batch_inputs": batch_inputs, "entity_weight": entity_weight, "relation_weight": relation_weight}


def reference(batch_inputs, entity_weight, relation_weight):
    # normalize(): divide each embedding row by its L1 norm (done every forward)
    ent_norms = jnp.sum(jnp.abs(entity_weight), axis=1, keepdims=True)
    ent = entity_weight / ent_norms
    rel_norms = jnp.sum(jnp.abs(relation_weight), axis=1, keepdims=True)
    rel = relation_weight / rel_norms
    e1 = batch_inputs[:, 0]
    r = batch_inputs[:, 1]
    e2 = batch_inputs[:, 2]
    e1_embed = jnp.take(ent, e1, axis=0)
    rel_embed = jnp.take(rel, r, axis=0)
    e2_embed = jnp.take(ent, e2, axis=0)
    outputs = e1_embed + rel_embed - e2_embed
    outputs = jnp.sum(jnp.abs(outputs), axis=1)  # L1 norm per row
    return outputs

if __name__ == "__main__":
    import jax
    _d = setup_inputs()
    print(jax.jit(kernel)(*tuple(_d.values())))

</pallas_src>

<mosaic_0001>
#map = affine_map<(d0, d1) -> (0, 0)>
#map1 = affine_map<(d0, d1) -> (0, 0, 0, 0)>
#map2 = affine_map<(d0, d1) -> (0)>
module attributes {stable_mosaic.version = 14 : i64} {
  func.func @_transe_sc(%arg0: i32, %arg1: i32, %arg2: memref<1000000x32xf32, #tpu.memory_space<hbm>>, %arg3: memref<1000000x32xf32, #tpu.memory_space<hbm>>, %arg4: memref<32x3x4x128xi32, #tpu.memory_space<hbm>>, %arg5: memref<16384xf32, #tpu.memory_space<hbm>>, %arg6: memref<3x4x128xi32, #tpu.memory_space<vmem>>, %arg7: memref<512x32xf32, #tpu.memory_space<vmem>>, %arg8: memref<512x32xf32, #tpu.memory_space<vmem>>, %arg9: memref<512x32xf32, #tpu.memory_space<vmem>>, %arg10: memref<512xf32, #tpu.memory_space<vmem>>, %arg11: memref<!tpu.dma_semaphore, #tpu.memory_space<semaphore_mem>>) attributes {dimension_semantics = [#tpu.dimension_semantics<core_parallel>, #tpu.dimension_semantics<subcore_parallel>], iteration_bounds = array<i64: 2, 16>, scalar_prefetch = 0 : i64, scratch_operands = 6 : i64, tpu.core_type = #tpu.core_type<sc_vector_subcore>, window_params = [{transform_indices = #map}, {transform_indices = #map}, {transform_indices = #map1}, {transform_indices = #map2}]} {
    %mul3A = arith.constant 2 : i32
    %mul3A_0 = arith.muli %arg1, %mul3A : i32
    %add3A = arith.addi %mul3A_0, %arg0 : i32
    %mul3A_1 = arith.constant 512 : i32
    %mul3A_2 = arith.muli %add3A, %mul3A_1 : i32
    "tpu.region"() ({
      %run_scoped3A = tpu.sem_alloc : memref<!tpu.dma_semaphore, #tpu.memory_space<semaphore_mem>>
      %dma_start3A_333 = arith.constant 0 : i32
      %dma_start3A_334 = arith.constant 0 : i32
      %dma_start3A_335 = arith.constant 0 : i32
      %dma_start3A_336 = tpu.memref_slice %arg4[%add3A, %dma_start3A_333, %dma_start3A_334, %dma_start3A_335] : memref<32x3x4x128xi32, #tpu.memory_space<hbm>> -> memref<1x3x4x128xi32, #tpu.memory_space<hbm>>
      %dma_start3A_337 = tpu.memref_squeeze %dma_start3A_336 : memref<1x3x4x128xi32, #tpu.memory_space<hbm>> -> memref<3x4x128xi32, #tpu.memory_space<hbm>>
      %dma_start3A_338 = arith.constant 0 : i32
      %dma_start3A_339 = arith.constant 0 : i32
      %dma_start3A_340 = arith.constant 0 : i32
      %dma_start3A_341 = tpu.memref_slice %arg4[%add3A, %dma_start3A_338, %dma_start3A_339, %dma_start3A_340] : memref<32x3x4x128xi32, #tpu.memory_space<hbm>> -> memref<1x3x4x128xi32, #tpu.memory_space<hbm>>
      %dma_start3A_342 = tpu.memref_squeeze %dma_start3A_341 : memref<1x3x4x128xi32, #tpu.memory_space<hbm>> -> memref<3x4x128xi32, #tpu.memory_space<hbm>>
      tpu.enqueue_dma source(%dma_start3A_342 : memref<3x4x128xi32, #tpu.memory_space<hbm>>) target(%arg6 : memref<3x4x128xi32, #tpu.memory_space<vmem>>) target_semaphore(%run_scoped3A : memref<!tpu.dma_semaphore, #tpu.memory_space<semaphore_mem>>)
      %dma_wait3A_343 = arith.constant 0 : i32
      %dma_wait3A_344 = arith.constant 0 : i32
      %dma_wait3A_345 = arith.constant 0 : i32
      %dma_wait3A_346 = tpu.memref_slice %arg4[%add3A, %dma_wait3A_343, %dma_wait3A_344, %dma_wait3A_345] : memref<32x3x4x128xi32, #tpu.memory_space<hbm>> -> memref<1x3x4x128xi32, #tpu.memory_space<hbm>>
      %dma_wait3A_347 = tpu.memref_squeeze %dma_wait3A_346 : memref<1x3x4x128xi32, #tpu.memory_space<hbm>> -> memref<3x4x128xi32, #tpu.memory_space<hbm>>
      %dma_wait3A_348 = arith.constant 0 : i32
      %dma_wait3A_349 = arith.constant 0 : i32
      %dma_wait3A_350 = arith.constant 0 : i32
      %dma_wait3A_351 = tpu.memref_slice %arg4[%add3A, %dma_wait3A_348, %dma_wait3A_349, %dma_wait3A_350] : memref<32x3x4x128xi32, #tpu.memory_space<hbm>> -> memref<1x3x4x128xi32, #tpu.memory_space<hbm>>
      %dma_wait3A_352 = tpu.memref_squeeze %dma_wait3A_351 : memref<1x3x4x128xi32, #tpu.memory_space<hbm>> -> memref<3x4x128xi32, #tpu.memory_space<hbm>>
      tpu.wait_dma2 semaphore(%run_scoped3A : memref<!tpu.dma_semaphore, #tpu.memory_space<semaphore_mem>>) src(%dma_wait3A_352 : memref<3x4x128xi32, #tpu.memory_space<hbm>>) dst(%arg6 : memref<3x4x128xi32, #tpu.memory_space<vmem>>)
      tpu.yield
    }) : () -> ()
    %dma_start3A = arith.constant 0 : i32
    %dma_start3A_3 = arith.constant 0 : i32
    %dma_start3A_4 = arith.constant 0 : i32
    %dma_start3A_5 = arith.constant 0 : i32
    %dma_start3A_6 = tpu.memref_slice %arg7[%dma_start3A_4, %dma_start3A_5] : memref<512x32xf32, #tpu.memory_space<vmem>> -> memref<128x32xf32, #tpu.memory_space<vmem>>
    %dma_start3A_7 = arith.constant 0 : i32
    %dma_start3A_8 = tpu.memref_slice %arg6[%dma_start3A, %dma_start3A_3, %dma_start3A_7] : memref<3x4x128xi32, #tpu.memory_space<vmem>> -> memref<1x1x128xi32, #tpu.memory_space<vmem>>
    %dma_start3A_9 = tpu.memref_squeeze %dma_start3A_8 : memref<1x1x128xi32, #tpu.memory_space<vmem>> -> memref<128xi32, #tpu.memory_space<vmem>>
    %dma_start3A_10 = arith.constant 0 : i32
    %dma_start3A_11 = arith.constant 0 : i32
    %dma_start3A_12 = tpu.memref_slice %arg2[%dma_start3A_10, %dma_start3A_11] : memref<1000000x32xf32, #tpu.memory_space<hbm>> -> memref<1000000x32xf32, #tpu.memory_space<hbm>>
    tpu.enqueue_indirect_dma source(%dma_start3A_12 : memref<1000000x32xf32, #tpu.memory_space<hbm>>) target(%dma_start3A_6 : memref<128x32xf32, #tpu.memory_space<vmem>>) offsets(%dma_start3A_9 : memref<128xi32, #tpu.memory_space<vmem>>) semaphore(%arg11 : memref<!tpu.dma_semaphore, #tpu.memory_space<semaphore_mem>>)
    %dma_start3A_13 = arith.constant 1 : i32
    %dma_start3A_14 = arith.constant 0 : i32
    %dma_start3A_15 = arith.constant 0 : i32
    %dma_start3A_16 = arith.constant 0 : i32
    %dma_start3A_17 = tpu.memref_slice %arg8[%dma_start3A_15, %dma_start3A_16] : memref<512x32xf32, #tpu.memory_space<vmem>> -> memref<128x32xf32, #tpu.memory_space<vmem>>
    %dma_start3A_18 = arith.constant 0 : i32
    %dma_start3A_19 = tpu.memref_slice %arg6[%dma_start3A_13, %dma_start3A_14, %dma_start3A_18] : memref<3x4x128xi32, #tpu.memory_space<vmem>> -> memref<1x1x128xi32, #tpu.memory_space<vmem>>
    %dma_start3A_20 = tpu.memref_squeeze %dma_start3A_19 : memref<1x1x128xi32, #tpu.memory_space<vmem>> -> memref<128xi32, #tpu.memory_space<vmem>>
    %dma_start3A_21 = arith.constant 0 : i32
    %dma_start3A_22 = arith.constant 0 : i32
    %dma_start3A_23 = tpu.memref_slice %arg3[%dma_start3A_21, %dma_start3A_22] : memref<1000000x32xf32, #tpu.memory_space<hbm>> -> memref<1000000x32xf32, #tpu.memory_space<hbm>>
    tpu.enqueue_indirect_dma source(%dma_start3A_23 : memref<1000000x32xf32, #tpu.memory_space<hbm>>) target(%dma_start3A_17 : memref<128x32xf32, #tpu.memory_space<vmem>>) offsets(%dma_start3A_20 : memref<128xi32, #tpu.memory_space<vmem>>) semaphore(%arg11 : memref<!tpu.dma_semaphore, #tpu.memory_space<semaphore_mem>>)
    %dma_start3A_24 = arith.constant 2 : i32
    %dma_start3A_25 = arith.constant 0 : i32
    %dma_start3A_26 = arith.constant 0 : i32
    %dma_start3A_27 = arith.constant 0 : i32
    %dma_start3A_28 = tpu.memref_slice %arg9[%dma_start3A_26, %dma_start3A_27] : memref<512x32xf32, #tpu.memory_space<vmem>> -> memref<128x32xf32, #tpu.memory_space<vmem>>
    %dma_start3A_29 = arith.constant 0 : i32
    %dma_start3A_30 = tpu.memref_slice %arg6[%dma_start3A_24, %dma_start3A_25, %dma_start3A_29] : memref<3x4x128xi32, #tpu.memory_space<vmem>> -> memref<1x1x128xi32, #tpu.memory_space<vmem>>
    %dma_start3A_31 = tpu.memref_squeeze %dma_start3A_30 : memref<1x1x128xi32, #tpu.memory_space<vmem>> -> memref<128xi32, #tpu.memory_space<vmem>>
    %dma_start3A_32 = arith.constant 0 : i32
    %dma_start3A_33 = arith.constant 0 : i32
    %dma_start3A_34 = tpu.memref_slice %arg2[%dma_start3A_32, %dma_start3A_33] : memref<1000000x32xf32, #tpu.memory_space<hbm>> -> memref<1000000x32xf32, #tpu.memory_space<hbm>>
    tpu.enqueue_indirect_dma source(%dma_start3A_34 : memref<1000000x32xf32, #tpu.memory_space<hbm>>) target(%dma_start3A_28 : memref<128x32xf32, #tpu.memory_space<vmem>>) offsets(%dma_start3A_31 : memref<128xi32, #tpu.memory_space<vmem>>) semaphore(%arg11 : memref<!tpu.dma_semaphore, #tpu.memory_space<semaphore_mem>>)
    %dma_start3A_35 = arith.constant 0 : i32
    %dma_start3A_36 = arith.constant 1 : i32
    %dma_start3A_37 = arith.constant 128 : i32
    %dma_start3A_38 = arith.constant 0 : i32
    %dma_start3A_39 = tpu.memref_slice %arg7[%dma_start3A_37, %dma_start3A_38] : memref<512x32xf32, #tpu.memory_space<vmem>> -> memref<128x32xf32, #tpu.memory_space<vmem>>
    %dma_start3A_40 = arith.constant 0 : i32
    %dma_start3A_41 = tpu.memref_slice %arg6[%dma_start3A_35, %dma_start3A_36, %dma_start3A_40] : memref<3x4x128xi32, #tpu.memory_space<vmem>> -> memref<1x1x128xi32, #tpu.memory_space<vmem>>
    %dma_start3A_42 = tpu.memref_squeeze %dma_start3A_41 : memref<1x1x128xi32, #tpu.memory_space<vmem>> -> memref<128xi32, #tpu.memory_space<vmem>>
    %dma_start3A_43 = arith.constant 0 : i32
    %dma_start3A_44 = arith.constant 0 : i32
    %dma_start3A_45 = tpu.memref_slice %arg2[%dma_start3A_43, %dma_start3A_44] : memref<1000000x32xf32, #tpu.memory_space<hbm>> -> memref<1000000x32xf32, #tpu.memory_space<hbm>>
    tpu.enqueue_indirect_dma source(%dma_start3A_45 : memref<1000000x32xf32, #tpu.memory_space<hbm>>) target(%dma_start3A_39 : memref<128x32xf32, #tpu.memory_space<vmem>>) offsets(%dma_start3A_42 : memref<128xi32, #tpu.memory_space<vmem>>) semaphore(%arg11 : memref<!tpu.dma_semaphore, #tpu.memory_space<semaphore_mem>>)
    %dma_start3A_46 = arith.constant 1 : i32
    %dma_start3A_47 = arith.constant 1 : i32
    %dma_start3A_48 = arith.constant 128 : i32
    %dma_start3A_49 = arith.constant 0 : i32
    %dma_start3A_50 = tpu.memref_slice %arg8[%dma_start3A_48, %dma_start3A_49] : memref<512x32xf32, #tpu.memory_space<vmem>> -> memref<128x32xf32, #tpu.memory_space<vmem>>
    %dma_start3A_51 = arith.constant 0 : i32
    %dma_start3A_52 = tpu.memref_slice %arg6[%dma_start3A_46, %dma_start3A_47, %dma_start3A_51] : memref<3x4x128xi32, #tpu.memory_space<vmem>> -> memref<1x1x128xi32, #tpu.memory_space<vmem>>
    %dma_start3A_53 = tpu.memref_squeeze %dma_start3A_52 : memref<1x1x128xi32, #tpu.memory_space<vmem>> -> memref<128xi32, #tpu.memory_space<vmem>>
    %dma_start3A_54 = arith.constant 0 : i32
    %dma_start3A_55 = arith.constant 0 : i32
    %dma_start3A_56 = tpu.memref_slice %arg3[%dma_start3A_54, %dma_start3A_55] : memref<1000000x32xf32, #tpu.memory_space<hbm>> -> memref<1000000x32xf32, #tpu.memory_space<hbm>>
    tpu.enqueue_indirect_dma source(%dma_start3A_56 : memref<1000000x32xf32, #tpu.memory_space<hbm>>) target(%dma_start3A_50 : memref<128x32xf32, #tpu.memory_space<vmem>>) offsets(%dma_start3A_53 : memref<128xi32, #tpu.memory_space<vmem>>) semaphore(%arg11 : memref<!tpu.dma_semaphore, #tpu.memory_space<semaphore_mem>>)
    %dma_start3A_57 = arith.constant 2 : i32
    %dma_start3A_58 = arith.constant 1 : i32
    %dma_start3A_59 = arith.constant 128 : i32
    %dma_start3A_60 = arith.constant 0 : i32
    %dma_start3A_61 = tpu.memref_slice %arg9[%dma_start3A_59, %dma_start3A_60] : memref<512x32xf32, #tpu.memory_space<vmem>> -> memref<128x32xf32, #tpu.memory_space<vmem>>
    %dma_start3A_62 = arith.constant 0 : i32
    %dma_start3A_63 = tpu.memref_slice %arg6[%dma_start3A_57, %dma_start3A_58, %dma_start3A_62] : memref<3x4x128xi32, #tpu.memory_space<vmem>> -> memref<1x1x128xi32, #tpu.memory_space<vmem>>
    %dma_start3A_64 = tpu.memref_squeeze %dma_start3A_63 : memref<1x1x128xi32, #tpu.memory_space<vmem>> -> memref<128xi32, #tpu.memory_space<vmem>>
    %dma_start3A_65 = arith.constant 0 : i32
    %dma_start3A_66 = arith.constant 0 : i32
    %dma_start3A_67 = tpu.memref_slice %arg2[%dma_start3A_65, %dma_start3A_66] : memref<1000000x32xf32, #tpu.memory_space<hbm>> -> memref<1000000x32xf32, #tpu.memory_space<hbm>>
    tpu.enqueue_indirect_dma source(%dma_start3A_67 : memref<1000000x32xf32, #tpu.memory_space<hbm>>) target(%dma_start3A_61 : memref<128x32xf32, #tpu.memory_space<vmem>>) offsets(%dma_start3A_64 : memref<128xi32, #tpu.memory_space<vmem>>) semaphore(%arg11 : memref<!tpu.dma_semaphore, #tpu.memory_space<semaphore_mem>>)
    %dma_start3A_68 = arith.constant 0 : i32
    %dma_start3A_69 = arith.constant 2 : i32
    %dma_start3A_70 = arith.constant 256 : i32
    %dma_start3A_71 = arith.constant 0 : i32
    %dma_start3A_72 = tpu.memref_slice %arg7[%dma_start3A_70, %dma_start3A_71] : memref<512x32xf32, #tpu.memory_space<vmem>> -> memref<128x32xf32, #tpu.memory_space<vmem>>
    %dma_start3A_73 = arith.constant 0 : i32
    %dma_start3A_74 = tpu.memref_slice %arg6[%dma_start3A_68, %dma_start3A_69, %dma_start3A_73] : memref<3x4x128xi32, #tpu.memory_space<vmem>> -> memref<1x1x128xi32, #tpu.memory_space<vmem>>
    %dma_start3A_75 = tpu.memref_squeeze %dma_start3A_74 : memref<1x1x128xi32, #tpu.memory_space<vmem>> -> memref<128xi32, #tpu.memory_space<vmem>>
    %dma_start3A_76 = arith.constant 0 : i32
    %dma_start3A_77 = arith.constant 0 : i32
    %dma_start3A_78 = tpu.memref_slice %arg2[%dma_start3A_76, %dma_start3A_77] : memref<1000000x32xf32, #tpu.memory_space<hbm>> -> memref<1000000x32xf32, #tpu.memory_space<hbm>>
    tpu.enqueue_indirect_dma source(%dma_start3A_78 : memref<1000000x32xf32, #tpu.memory_space<hbm>>) target(%dma_start3A_72 : memref<128x32xf32, #tpu.memory_space<vmem>>) offsets(%dma_start3A_75 : memref<128xi32, #tpu.memory_space<vmem>>) semaphore(%arg11 : memref<!tpu.dma_semaphore, #tpu.memory_space<semaphore_mem>>)
    %dma_start3A_79 = arith.constant 1 : i32
    %dma_start3A_80 = arith.constant 2 : i32
    %dma_start3A_81 = arith.constant 256 : i32
    %dma_start3A_82 = arith.constant 0 : i32
    %dma_start3A_83 = tpu.memref_slice %arg8[%dma_start3A_81, %dma_start3A_82] : memref<512x32xf32, #tpu.memory_space<vmem>> -> memref<128x32xf32, #tpu.memory_space<vmem>>
    %dma_start3A_84 = arith.constant 0 : i32
    %dma_start3A_85 = tpu.memref_slice %arg6[%dma_start3A_79, %dma_start3A_80, %dma_start3A_84] : memref<3x4x128xi32, #tpu.memory_space<vmem>> -> memref<1x1x128xi32, #tpu.memory_space<vmem>>
    %dma_start3A_86 = tpu.memref_squeeze %dma_start3A_85 : memref<1x1x128xi32, #tpu.memory_space<vmem>> -> memref<128xi32, #tpu.memory_space<vmem>>
    %dma_start3A_87 = arith.constant 0 : i32
    %dma_start3A_88 = arith.constant 0 : i32
    %dma_start3A_89 = tpu.memref_slice %arg3[%dma_start3A_87, %dma_start3A_88] : memref<1000000x32xf32, #tpu.memory_space<hbm>> -> memref<1000000x32xf32, #tpu.memory_space<hbm>>
    tpu.enqueue_indirect_dma source(%dma_start3A_89 : memref<1000000x32xf32, #tpu.memory_space<hbm>>) target(%dma_start3A_83 : memref<128x32xf32, #tpu.memory_space<vmem>>) offsets(%dma_start3A_86 : memref<128xi32, #tpu.memory_space<vmem>>) semaphore(%arg11 : memref<!tpu.dma_semaphore, #tpu.memory_space<semaphore_mem>>)
    %dma_start3A_90 = arith.constant 2 : i32
    %dma_start3A_91 = arith.constant 2 : i32
    %dma_start3A_92 = arith.constant 256 : i32
    %dma_start3A_93 = arith.constant 0 : i32
    %dma_start3A_94 = tpu.memref_slice %arg9[%dma_start3A_92, %dma_start3A_93] : memref<512x32xf32, #tpu.memory_space<vmem>> -> memref<128x32xf32, #tpu.memory_space<vmem>>
    %dma_start3A_95 = arith.constant 0 : i32
    %dma_start3A_96 = tpu.memref_slice %arg6[%dma_start3A_90, %dma_start3A_91, %dma_start3A_95] : memref<3x4x128xi32, #tpu.memory_space<vmem>> -> memref<1x1x128xi32, #tpu.memory_space<vmem>>
    %dma_start3A_97 = tpu.memref_squeeze %dma_start3A_96 : memref<1x1x128xi32, #tpu.memory_space<vmem>> -> memref<128xi32, #tpu.memory_space<vmem>>
    %dma_start3A_98 = arith.constant 0 : i32
    %dma_start3A_99 = arith.constant 0 : i32
    %dma_start3A_100 = tpu.memref_slice %arg2[%dma_start3A_98, %dma_start3A_99] : memref<1000000x32xf32, #tpu.memory_space<hbm>> -> memref<1000000x32xf32, #tpu.memory_space<hbm>>
    tpu.enqueue_indirect_dma source(%dma_start3A_100 : memref<1000000x32xf32, #tpu.memory_space<hbm>>) target(%dma_start3A_94 : memref<128x32xf32, #tpu.memory_space<vmem>>) offsets(%dma_start3A_97 : memref<128xi32, #tpu.memory_space<vmem>>) semaphore(%arg11 : memref<!tpu.dma_semaphore, #tpu.memory_space<semaphore_mem>>)
    %dma_start3A_101 = arith.constant 0 : i32
    %dma_start3A_102 = arith.constant 3 : i32
    %dma_start3A_103 = arith.constant 384 : i32
    %dma_start3A_104 = arith.constant 0 : i32
    %dma_start3A_105 = tpu.memref_slice %arg7[%dma_start3A_103, %dma_start3A_104] : memref<512x32xf32, #tpu.memory_space<vmem>> -> memref<128x32xf32, #tpu.memory_space<vmem>>
    %dma_start3A_106 = arith.constant 0 : i32
    %dma_start3A_107 = tpu.memref_slice %arg6[%dma_start3A_101, %dma_start3A_102, %dma_start3A_106] : memref<3x4x128xi32, #tpu.memory_space<vmem>> -> memref<1x1x128xi32, #tpu.memory_space<vmem>>
    %dma_start3A_108 = tpu.memref_squeeze %dma_start3A_107 : memref<1x1x128xi32, #tpu.memory_space<vmem>> -> memref<128xi32, #tpu.memory_space<vmem>>
    %dma_start3A_109 = arith.constant 0 : i32
    %dma_start3A_110 = arith.constant 0 : i32
    %dma_start3A_111 = tpu.memref_slice %arg2[%dma_start3A_109, %dma_start3A_110] : memref<1000000x32xf32, #tpu.memory_space<hbm>> -> memref<1000000x32xf32, #tpu.memory_space<hbm>>
    tpu.enqueue_indirect_dma source(%dma_start3A_111 : memref<1000000x32xf32, #tpu.memory_space<hbm>>) target(%dma_start3A_105 : memref<128x32xf32, #tpu.memory_space<vmem>>) offsets(%dma_start3A_108 : memref<128xi32, #tpu.memory_space<vmem>>) semaphore(%arg11 : memref<!tpu.dma_semaphore, #tpu.memory_space<semaphore_mem>>)
    %dma_start3A_112 = arith.constant 1 : i32
    %dma_start3A_113 = arith.constant 3 : i32
    %dma_start3A_114 = arith.constant 384 : i32
    %dma_start3A_115 = arith.constant 0 : i32
    %dma_start3A_116 = tpu.memref_slice %arg8[%dma_start3A_114, %dma_start3A_115] : memref<512x32xf32, #tpu.memory_space<vmem>> -> memref<128x32xf32, #tpu.memory_space<vmem>>
    %dma_start3A_117 = arith.constant 0 : i32
    %dma_start3A_118 = tpu.memref_slice %arg6[%dma_start3A_112, %dma_start3A_113, %dma_start3A_117] : memref<3x4x128xi32, #tpu.memory_space<vmem>> -> memref<1x1x128xi32, #tpu.memory_space<vmem>>
    %dma_start3A_119 = tpu.memref_squeeze %dma_start3A_118 : memref<1x1x128xi32, #tpu.memory_space<vmem>> -> memref<128xi32, #tpu.memory_space<vmem>>
    %dma_start3A_120 = arith.constant 0 : i32
    %dma_start3A_121 = arith.constant 0 : i32
    %dma_start3A_122 = tpu.memref_slice %arg3[%dma_start3A_120, %dma_start3A_121] : memref<1000000x32xf32, #tpu.memory_space<hbm>> -> memref<1000000x32xf32, #tpu.memory_space<hbm>>
    tpu.enqueue_indirect_dma source(%dma_start3A_122 : memref<1000000x32xf32, #tpu.memory_space<hbm>>) target(%dma_start3A_116 : memref<128x32xf32, #tpu.memory_space<vmem>>) offsets(%dma_start3A_119 : memref<128xi32, #tpu.memory_space<vmem>>) semaphore(%arg11 : memref<!tpu.dma_semaphore, #tpu.memory_space<semaphore_mem>>)
    %dma_start3A_123 = arith.constant 2 : i32
    %dma_start3A_124 = arith.constant 3 : i32
    %dma_start3A_125 = arith.constant 384 : i32
    %dma_start3A_126 = arith.constant 0 : i32
    %dma_start3A_127 = tpu.memref_slice %arg9[%dma_start3A_125, %dma_start3A_126] : memref<512x32xf32, #tpu.memory_space<vmem>> -> memref<128x32xf32, #tpu.memory_space<vmem>>
    %dma_start3A_128 = arith.constant 0 : i32
    %dma_start3A_129 = tpu.memref_slice %arg6[%dma_start3A_123, %dma_start3A_124, %dma_start3A_128] : memref<3x4x128xi32, #tpu.memory_space<vmem>> -> memref<1x1x128xi32, #tpu.memory_space<vmem>>
    %dma_start3A_130 = tpu.memref_squeeze %dma_start3A_129 : memref<1x1x128xi32, #tpu.memory_space<vmem>> -> memref<128xi32, #tpu.memory_space<vmem>>
    %dma_start3A_131 = arith.constant 0 : i32
    %dma_start3A_132 = arith.constant 0 : i32
    %dma_start3A_133 = tpu.memref_slice %arg2[%dma_start3A_131, %dma_start3A_132] : memref<1000000x32xf32, #tpu.memory_space<hbm>> -> memref<1000000x32xf32, #tpu.memory_space<hbm>>
    tpu.enqueue_indirect_dma source(%dma_start3A_133 : memref<1000000x32xf32, #tpu.memory_space<hbm>>) target(%dma_start3A_127 : memref<128x32xf32, #tpu.memory_space<vmem>>) offsets(%dma_start3A_130 : memref<128xi32, #tpu.memory_space<vmem>>) semaphore(%arg11 : memref<!tpu.dma_semaphore, #tpu.memory_space<semaphore_mem>>)
    %dma_wait3A = arith.constant 0 : i32
    %dma_wait3A_134 = arith.constant 0 : i32
    %dma_wait3A_135 = arith.constant 0 : i32
    %dma_wait3A_136 = arith.constant 0 : i32
    %dma_wait3A_137 = tpu.memref_slice %arg7[%dma_wait3A_135, %dma_wait3A_136] : memref<512x32xf32, #tpu.memory_space<vmem>> -> memref<128x32xf32, #tpu.memory_space<vmem>>
    %dma_wait3A_138 = arith.constant 0 : i32
    %dma_wait3A_139 = tpu.memref_slice %arg6[%dma_wait3A, %dma_wait3A_134, %dma_wait3A_138] : memref<3x4x128xi32, #tpu.memory_space<vmem>> -> memref<1x1x128xi32, #tpu.memory_space<vmem>>
    %dma_wait3A_140 = tpu.memref_squeeze %dma_wait3A_139 : memref<1x1x128xi32, #tpu.memory_space<vmem>> -> memref<128xi32, #tpu.memory_space<vmem>>
    %dma_wait3A_141 = arith.constant 0 : i32
    %dma_wait3A_142 = arith.constant 0 : i32
    %dma_wait3A_143 = tpu.memref_slice %arg2[%dma_wait3A_141, %dma_wait3A_142] : memref<1000000x32xf32, #tpu.memory_space<hbm>> -> memref<1000000x32xf32, #tpu.memory_space<hbm>>
    tpu.wait_indirect_dma semaphore(%arg11 : memref<!tpu.dma_semaphore, #tpu.memory_space<semaphore_mem>>) src(%dma_wait3A_143 : memref<1000000x32xf32, #tpu.memory_space<hbm>>) dst(%dma_wait3A_137 : memref<128x32xf32, #tpu.memory_space<vmem>>)
    %dma_wait3A_144 = arith.constant 1 : i32
    %dma_wait3A_145 = arith.constant 0 : i32
    %dma_wait3A_146 = arith.constant 0 : i32
    %dma_wait3A_147 = arith.constant 0 : i32
    %dma_wait3A_148 = tpu.memref_slice %arg8[%dma_wait3A_146, %dma_wait3A_147] : memref<512x32xf32, #tpu.memory_space<vmem>> -> memref<128x32xf32, #tpu.memory_space<vmem>>
    %dma_wait3A_149 = arith.constant 0 : i32
    %dma_wait3A_150 = tpu.memref_slice %arg6[%dma_wait3A_144, %dma_wait3A_145, %dma_wait3A_149] : memref<3x4x128xi32, #tpu.memory_space<vmem>> -> memref<1x1x128xi32, #tpu.memory_space<vmem>>
    %dma_wait3A_151 = tpu.memref_squeeze %dma_wait3A_150 : memref<1x1x128xi32, #tpu.memory_space<vmem>> -> memref<128xi32, #tpu.memory_space<vmem>>
    %dma_wait3A_152 = arith.constant 0 : i32
    %dma_wait3A_153 = arith.constant 0 : i32
    %dma_wait3A_154 = tpu.memref_slice %arg3[%dma_wait3A_152, %dma_wait3A_153] : memref<1000000x32xf32, #tpu.memory_space<hbm>> -> memref<1000000x32xf32, #tpu.memory_space<hbm>>
    tpu.wait_indirect_dma semaphore(%arg11 : memref<!tpu.dma_semaphore, #tpu.memory_space<semaphore_mem>>) src(%dma_wait3A_154 : memref<1000000x32xf32, #tpu.memory_space<hbm>>) dst(%dma_wait3A_148 : memref<128x32xf32, #tpu.memory_space<vmem>>)
    %dma_wait3A_155 = arith.constant 2 : i32
    %dma_wait3A_156 = arith.constant 0 : i32
    %dma_wait3A_157 = arith.constant 0 : i32
    %dma_wait3A_158 = arith.constant 0 : i32
    %dma_wait3A_159 = tpu.memref_slice %arg9[%dma_wait3A_157, %dma_wait3A_158] : memref<512x32xf32, #tpu.memory_space<vmem>> -> memref<128x32xf32, #tpu.memory_space<vmem>>
    %dma_wait3A_160 = arith.constant 0 : i32
    %dma_wait3A_161 = tpu.memref_slice %arg6[%dma_wait3A_155, %dma_wait3A_156, %dma_wait3A_160] : memref<3x4x128xi32, #tpu.memory_space<vmem>> -> memref<1x1x128xi32, #tpu.memory_space<vmem>>
    %dma_wait3A_162 = tpu.memref_squeeze %dma_wait3A_161 : memref<1x1x128xi32, #tpu.memory_space<vmem>> -> memref<128xi32, #tpu.memory_space<vmem>>
    %dma_wait3A_163 = arith.constant 0 : i32
    %dma_wait3A_164 = arith.constant 0 : i32
    %dma_wait3A_165 = tpu.memref_slice %arg2[%dma_wait3A_163, %dma_wait3A_164] : memref<1000000x32xf32, #tpu.memory_space<hbm>> -> memref<1000000x32xf32, #tpu.memory_space<hbm>>
    tpu.wait_indirect_dma semaphore(%arg11 : memref<!tpu.dma_semaphore, #tpu.memory_space<semaphore_mem>>) src(%dma_wait3A_165 : memref<1000000x32xf32, #tpu.memory_space<hbm>>) dst(%dma_wait3A_159 : memref<128x32xf32, #tpu.memory_space<vmem>>)
    %dma_wait3A_166 = arith.constant 0 : i32
    %dma_wait3A_167 = arith.constant 1 : i32
    %dma_wait3A_168 = arith.constant 128 : i32
    %dma_wait3A_169 = arith.constant 0 : i32
    %dma_wait3A_170 = tpu.memref_slice %arg7[%dma_wait3A_168, %dma_wait3A_169] : memref<512x32xf32, #tpu.memory_space<vmem>> -> memref<128x32xf32, #tpu.memory_space<vmem>>
    %dma_wait3A_171 = arith.constant 0 : i32
    %dma_wait3A_172 = tpu.memref_slice %arg6[%dma_wait3A_166, %dma_wait3A_167, %dma_wait3A_171] : memref<3x4x128xi32, #tpu.memory_space<vmem>> -> memref<1x1x128xi32, #tpu.memory_space<vmem>>
    %dma_wait3A_173 = tpu.memref_squeeze %dma_wait3A_172 : memref<1x1x128xi32, #tpu.memory_space<vmem>> -> memref<128xi32, #tpu.memory_space<vmem>>
    %dma_wait3A_174 = arith.constant 0 : i32
    %dma_wait3A_175 = arith.constant 0 : i32
    %dma_wait3A_176 = tpu.memref_slice %arg2[%dma_wait3A_174, %dma_wait3A_175] : memref<1000000x32xf32, #tpu.memory_space<hbm>> -> memref<1000000x32xf32, #tpu.memory_space<hbm>>
    tpu.wait_indirect_dma semaphore(%arg11 : memref<!tpu.dma_semaphore, #tpu.memory_space<semaphore_mem>>) src(%dma_wait3A_176 : memref<1000000x32xf32, #tpu.memory_space<hbm>>) dst(%dma_wait3A_170 : memref<128x32xf32, #tpu.memory_space<vmem>>)
    %dma_wait3A_177 = arith.constant 1 : i32
    %dma_wait3A_178 = arith.constant 1 : i32
    %dma_wait3A_179 = arith.constant 128 : i32
    %dma_wait3A_180 = arith.constant 0 : i32
    %dma_wait3A_181 = tpu.memref_slice %arg8[%dma_wait3A_179, %dma_wait3A_180] : memref<512x32xf32, #tpu.memory_space<vmem>> -> memref<128x32xf32, #tpu.memory_space<vmem>>
    %dma_wait3A_182 = arith.constant 0 : i32
    %dma_wait3A_183 = tpu.memref_slice %arg6[%dma_wait3A_177, %dma_wait3A_178, %dma_wait3A_182] : memref<3x4x128xi32, #tpu.memory_space<vmem>> -> memref<1x1x128xi32, #tpu.memory_space<vmem>>
    %dma_wait3A_184 = tpu.memref_squeeze %dma_wait3A_183 : memref<1x1x128xi32, #tpu.memory_space<vmem>> -> memref<128xi32, #tpu.memory_space<vmem>>
    %dma_wait3A_185 = arith.constant 0 : i32
    %dma_wait3A_186 = arith.constant 0 : i32
    %dma_wait3A_187 = tpu.memref_slice %arg3[%dma_wait3A_185, %dma_wait3A_186] : memref<1000000x32xf32, #tpu.memory_space<hbm>> -> memref<1000000x32xf32, #tpu.memory_space<hbm>>
    tpu.wait_indirect_dma semaphore(%arg11 : memref<!tpu.dma_semaphore, #tpu.memory_space<semaphore_mem>>) src(%dma_wait3A_187 : memref<1000000x32xf32, #tpu.memory_space<hbm>>) dst(%dma_wait3A_181 : memref<128x32xf32, #tpu.memory_space<vmem>>)
    %dma_wait3A_188 = arith.constant 2 : i32
    %dma_wait3A_189 = arith.constant 1 : i32
    %dma_wait3A_190 = arith.constant 128 : i32
    %dma_wait3A_191 = arith.constant 0 : i32
    %dma_wait3A_192 = tpu.memref_slice %arg9[%dma_wait3A_190, %dma_wait3A_191] : memref<512x32xf32, #tpu.memory_space<vmem>> -> memref<128x32xf32, #tpu.memory_space<vmem>>
    %dma_wait3A_193 = arith.constant 0 : i32
    %dma_wait3A_194 = tpu.memref_slice %arg6[%dma_wait3A_188, %dma_wait3A_189, %dma_wait3A_193] : memref<3x4x128xi32, #tpu.memory_space<vmem>> -> memref<1x1x128xi32, #tpu.memory_space<vmem>>
    %dma_wait3A_195 = tpu.memref_squeeze %dma_wait3A_194 : memref<1x1x128xi32, #tpu.memory_space<vmem>> -> memref<128xi32, #tpu.memory_space<vmem>>
    %dma_wait3A_196 = arith.constant 0 : i32
    %dma_wait3A_197 = arith.constant 0 : i32
    %dma_wait3A_198 = tpu.memref_slice %arg2[%dma_wait3A_196, %dma_wait3A_197] : memref<1000000x32xf32, #tpu.memory_space<hbm>> -> memref<1000000x32xf32, #tpu.memory_space<hbm>>
    tpu.wait_indirect_dma semaphore(%arg11 : memref<!tpu.dma_semaphore, #tpu.memory_space<semaphore_mem>>) src(%dma_wait3A_198 : memref<1000000x32xf32, #tpu.memory_space<hbm>>) dst(%dma_wait3A_192 : memref<128x32xf32, #tpu.memory_space<vmem>>)
    %dma_wait3A_199 = arith.constant 0 : i32
    %dma_wait3A_200 = arith.constant 2 : i32
    %dma_wait3A_201 = arith.constant 256 : i32
    %dma_wait3A_202 = arith.constant 0 : i32
    %dma_wait3A_203 = tpu.memref_slice %arg7[%dma_wait3A_201, %dma_wait3A_202] : memref<512x32xf32, #tpu.memory_space<vmem>> -> memref<128x32xf32, #tpu.memory_space<vmem>>
    %dma_wait3A_204 = arith.constant 0 : i32
    %dma_wait3A_205 = tpu.memref_slice %arg6[%dma_wait3A_199, %dma_wait3A_200, %dma_wait3A_204] : memref<3x4x128xi32, #tpu.memory_space<vmem>> -> memref<1x1x128xi32, #tpu.memory_space<vmem>>
    %dma_wait3A_206 = tpu.memref_squeeze %dma_wait3A_205 : memref<1x1x128xi32, #tpu.memory_space<vmem>> -> memref<128xi32, #tpu.memory_space<vmem>>
    %dma_wait3A_207 = arith.constant 0 : i32
    %dma_wait3A_208 = arith.constant 0 : i32
    %dma_wait3A_209 = tpu.memref_slice %arg2[%dma_wait3A_207, %dma_wait3A_208] : memref<1000000x32xf32, #tpu.memory_space<hbm>> -> memref<1000000x32xf32, #tpu.memory_space<hbm>>
    tpu.wait_indirect_dma semaphore(%arg11 : memref<!tpu.dma_semaphore, #tpu.memory_space<semaphore_mem>>) src(%dma_wait3A_209 : memref<1000000x32xf32, #tpu.memory_space<hbm>>) dst(%dma_wait3A_203 : memref<128x32xf32, #tpu.memory_space<vmem>>)
    %dma_wait3A_210 = arith.constant 1 : i32
    %dma_wait3A_211 = arith.constant 2 : i32
    %dma_wait3A_212 = arith.constant 256 : i32
    %dma_wait3A_213 = arith.constant 0 : i32
    %dma_wait3A_214 = tpu.memref_slice %arg8[%dma_wait3A_212, %dma_wait3A_213] : memref<512x32xf32, #tpu.memory_space<vmem>> -> memref<128x32xf32, #tpu.memory_space<vmem>>
    %dma_wait3A_215 = arith.constant 0 : i32
    %dma_wait3A_216 = tpu.memref_slice %arg6[%dma_wait3A_210, %dma_wait3A_211, %dma_wait3A_215] : memref<3x4x128xi32, #tpu.memory_space<vmem>> -> memref<1x1x128xi32, #tpu.memory_space<vmem>>
    %dma_wait3A_217 = tpu.memref_squeeze %dma_wait3A_216 : memref<1x1x128xi32, #tpu.memory_space<vmem>> -> memref<128xi32, #tpu.memory_space<vmem>>
    %dma_wait3A_218 = arith.constant 0 : i32
    %dma_wait3A_219 = arith.constant 0 : i32
    %dma_wait3A_220 = tpu.memref_slice %arg3[%dma_wait3A_218, %dma_wait3A_219] : memref<1000000x32xf32, #tpu.memory_space<hbm>> -> memref<1000000x32xf32, #tpu.memory_space<hbm>>
    tpu.wait_indirect_dma semaphore(%arg11 : memref<!tpu.dma_semaphore, #tpu.memory_space<semaphore_mem>>) src(%dma_wait3A_220 : memref<1000000x32xf32, #tpu.memory_space<hbm>>) dst(%dma_wait3A_214 : memref<128x32xf32, #tpu.memory_space<vmem>>)
    %dma_wait3A_221 = arith.constant 2 : i32
    %dma_wait3A_222 = arith.constant 2 : i32
    %dma_wait3A_223 = arith.constant 256 : i32
    %dma_wait3A_224 = arith.constant 0 : i32
    %dma_wait3A_225 = tpu.memref_slice %arg9[%dma_wait3A_223, %dma_wait3A_224] : memref<512x32xf32, #tpu.memory_space<vmem>> -> memref<128x32xf32, #tpu.memory_space<vmem>>
    %dma_wait3A_226 = arith.constant 0 : i32
    %dma_wait3A_227 = tpu.memref_slice %arg6[%dma_wait3A_221, %dma_wait3A_222, %dma_wait3A_226] : memref<3x4x128xi32, #tpu.memory_space<vmem>> -> memref<1x1x128xi32, #tpu.memory_space<vmem>>
    %dma_wait3A_228 = tpu.memref_squeeze %dma_wait3A_227 : memref<1x1x128xi32, #tpu.memory_space<vmem>> -> memref<128xi32, #tpu.memory_space<vmem>>
    %dma_wait3A_229 = arith.constant 0 : i32
    %dma_wait3A_230 = arith.constant 0 : i32
    %dma_wait3A_231 = tpu.memref_slice %arg2[%dma_wait3A_229, %dma_wait3A_230] : memref<1000000x32xf32, #tpu.memory_space<hbm>> -> memref<1000000x32xf32, #tpu.memory_space<hbm>>
    tpu.wait_indirect_dma semaphore(%arg11 : memref<!tpu.dma_semaphore, #tpu.memory_space<semaphore_mem>>) src(%dma_wait3A_231 : memref<1000000x32xf32, #tpu.memory_space<hbm>>) dst(%dma_wait3A_225 : memref<128x32xf32, #tpu.memory_space<vmem>>)
    %dma_wait3A_232 = arith.constant 0 : i32
    %dma_wait3A_233 = arith.constant 3 : i32
    %dma_wait3A_234 = arith.constant 384 : i32
    %dma_wait3A_235 = arith.constant 0 : i32
    %dma_wait3A_236 = tpu.memref_slice %arg7[%dma_wait3A_234, %dma_wait3A_235] : memref<512x32xf32, #tpu.memory_space<vmem>> -> memref<128x32xf32, #tpu.memory_space<vmem>>
    %dma_wait3A_237 = arith.constant 0 : i32
    %dma_wait3A_238 = tpu.memref_slice %arg6[%dma_wait3A_232, %dma_wait3A_233, %dma_wait3A_237] : memref<3x4x128xi32, #tpu.memory_space<vmem>> -> memref<1x1x128xi32, #tpu.memory_space<vmem>>
    %dma_wait3A_239 = tpu.memref_squeeze %dma_wait3A_238 : memref<1x1x128xi32, #tpu.memory_space<vmem>> -> memref<128xi32, #tpu.memory_space<vmem>>
    %dma_wait3A_240 = arith.constant 0 : i32
    %dma_wait3A_241 = arith.constant 0 : i32
    %dma_wait3A_242 = tpu.memref_slice %arg2[%dma_wait3A_240, %dma_wait3A_241] : memref<1000000x32xf32, #tpu.memory_space<hbm>> -> memref<1000000x32xf32, #tpu.memory_space<hbm>>
    tpu.wait_indirect_dma semaphore(%arg11 : memref<!tpu.dma_semaphore, #tpu.memory_space<semaphore_mem>>) src(%dma_wait3A_242 : memref<1000000x32xf32, #tpu.memory_space<hbm>>) dst(%dma_wait3A_236 : memref<128x32xf32, #tpu.memory_space<vmem>>)
    %dma_wait3A_243 = arith.constant 1 : i32
    %dma_wait3A_244 = arith.constant 3 : i32
    %dma_wait3A_245 = arith.constant 384 : i32
    %dma_wait3A_246 = arith.constant 0 : i32
    %dma_wait3A_247 = tpu.memref_slice %arg8[%dma_wait3A_245, %dma_wait3A_246] : memref<512x32xf32, #tpu.memory_space<vmem>> -> memref<128x32xf32, #tpu.memory_space<vmem>>
    %dma_wait3A_248 = arith.constant 0 : i32
    %dma_wait3A_249 = tpu.memref_slice %arg6[%dma_wait3A_243, %dma_wait3A_244, %dma_wait3A_248] : memref<3x4x128xi32, #tpu.memory_space<vmem>> -> memref<1x1x128xi32, #tpu.memory_space<vmem>>
    %dma_wait3A_250 = tpu.memref_squeeze %dma_wait3A_249 : memref<1x1x128xi32, #tpu.memory_space<vmem>> -> memref<128xi32, #tpu.memory_space<vmem>>
    %dma_wait3A_251 = arith.constant 0 : i32
    %dma_wait3A_252 = arith.constant 0 : i32
    %dma_wait3A_253 = tpu.memref_slice %arg3[%dma_wait3A_251, %dma_wait3A_252] : memref<1000000x32xf32, #tpu.memory_space<hbm>> -> memref<1000000x32xf32, #tpu.memory_space<hbm>>
    tpu.wait_indirect_dma semaphore(%arg11 : memref<!tpu.dma_semaphore, #tpu.memory_space<semaphore_mem>>) src(%dma_wait3A_253 : memref<1000000x32xf32, #tpu.memory_space<hbm>>) dst(%dma_wait3A_247 : memref<128x32xf32, #tpu.memory_space<vmem>>)
    %dma_wait3A_254 = arith.constant 2 : i32
    %dma_wait3A_255 = arith.constant 3 : i32
    %dma_wait3A_256 = arith.constant 384 : i32
    %dma_wait3A_257 = arith.constant 0 : i32
    %dma_wait3A_258 = tpu.memref_slice %arg9[%dma_wait3A_256, %dma_wait3A_257] : memref<512x32xf32, #tpu.memory_space<vmem>> -> memref<128x32xf32, #tpu.memory_space<vmem>>
    %dma_wait3A_259 = arith.constant 0 : i32
    %dma_wait3A_260 = tpu.memref_slice %arg6[%dma_wait3A_254, %dma_wait3A_255, %dma_wait3A_259] : memref<3x4x128xi32, #tpu.memory_space<vmem>> -> memref<1x1x128xi32, #tpu.memory_space<vmem>>
    %dma_wait3A_261 = tpu.memref_squeeze %dma_wait3A_260 : memref<1x1x128xi32, #tpu.memory_space<vmem>> -> memref<128xi32, #tpu.memory_space<vmem>>
    %dma_wait3A_262 = arith.constant 0 : i32
    %dma_wait3A_263 = arith.constant 0 : i32
    %dma_wait3A_264 = tpu.memref_slice %arg2[%dma_wait3A_262, %dma_wait3A_263] : memref<1000000x32xf32, #tpu.memory_space<hbm>> -> memref<1000000x32xf32, #tpu.memory_space<hbm>>
    tpu.wait_indirect_dma semaphore(%arg11 : memref<!tpu.dma_semaphore, #tpu.memory_space<semaphore_mem>>) src(%dma_wait3A_264 : memref<1000000x32xf32, #tpu.memory_space<hbm>>) dst(%dma_wait3A_258 : memref<128x32xf32, #tpu.memory_space<vmem>>)
    %broadcast_in_dim3A = arith.constant 0 : i32
    %broadcast_in_dim3A_265 = vector.broadcast %broadcast_in_dim3A : i32 to vector<16xi32>
    %broadcast_in_dim3A_266 = arith.constant 1 : i32
    %broadcast_in_dim3A_267 = vector.broadcast %broadcast_in_dim3A_266 : i32 to vector<16xi32>
    %broadcast_in_dim3A_268 = arith.constant 2 : i32
    %broadcast_in_dim3A_269 = vector.broadcast %broadcast_in_dim3A_268 : i32 to vector<16xi32>
    %broadcast_in_dim3A_270 = arith.constant 3 : i32
    %broadcast_in_dim3A_271 = vector.broadcast %broadcast_in_dim3A_270 : i32 to vector<16xi32>
    %broadcast_in_dim3A_272 = arith.constant 4 : i32
    %broadcast_in_dim3A_273 = vector.broadcast %broadcast_in_dim3A_272 : i32 to vector<16xi32>
    %broadcast_in_dim3A_274 = arith.constant 5 : i32
    %broadcast_in_dim3A_275 = vector.broadcast %broadcast_in_dim3A_274 : i32 to vector<16xi32>
    %broadcast_in_dim3A_276 = arith.constant 6 : i32
    %broadcast_in_dim3A_277 = vector.broadcast %broadcast_in_dim3A_276 : i32 to vector<16xi32>
    %broadcast_in_dim3A_278 = arith.constant 7 : i32
    %broadcast_in_dim3A_279 = vector.broadcast %broadcast_in_dim3A_278 : i32 to vector<16xi32>
    %broadcast_in_dim3A_280 = arith.constant 8 : i32
    %broadcast_in_dim3A_281 = vector.broadcast %broadcast_in_dim3A_280 : i32 to vector<16xi32>
    %broadcast_in_dim3A_282 = arith.constant 9 : i32
    %broadcast_in_dim3A_283 = vector.broadcast %broadcast_in_dim3A_282 : i32 to vector<16xi32>
    %broadcast_in_dim3A_284 = arith.constant 10 : i32
    %broadcast_in_dim3A_285 = vector.broadcast %broadcast_in_dim3A_284 : i32 to vector<16xi32>
    %broadcast_in_dim3A_286 = arith.constant 11 : i32
    %broadcast_in_dim3A_287 = vector.broadcast %broadcast_in_dim3A_286 : i32 to vector<16xi32>
    %broadcast_in_dim3A_288 = arith.constant 12 : i32
    %broadcast_in_dim3A_289 = vector.broadcast %broadcast_in_dim3A_288 : i32 to vector<16xi32>
    %broadcast_in_dim3A_290 = arith.constant 13 : i32
    %broadcast_in_dim3A_291 = vector.broadcast %broadcast_in_dim3A_290 : i32 to vector<16xi32>
    %broadcast_in_dim3A_292 = arith.constant 14 : i32
    %broadcast_in_dim3A_293 = vector.broadcast %broadcast_in_dim3A_292 : i32 to vector<16xi32>
    %broadcast_in_dim3A_294 = arith.constant 15 : i32
    %broadcast_in_dim3A_295 = vector.broadcast %broadcast_in_dim3A_294 : i32 to vector<16xi32>
    %broadcast_in_dim3A_296 = arith.constant 16 : i32
    %broadcast_in_dim3A_297 = vector.broadcast %broadcast_in_dim3A_296 : i32 to vector<16xi32>
    %broadcast_in_dim3A_298 = arith.constant 17 : i32
    %broadcast_in_dim3A_299 = vector.broadcast %broadcast_in_dim3A_298 : i32 to vector<16xi32>
    %broadcast_in_dim3A_300 = arith.constant 18 : i32
    %broadcast_in_dim3A_301 = vector.broadcast %broadcast_in_dim3A_300 : i32 to vector<16xi32>
    %broadcast_in_dim3A_302 = arith.constant 19 : i32
    %broadcast_in_dim3A_303 = vector.broadcast %broadcast_in_dim3A_302 : i32 to vector<16xi32>
    %broadcast_in_dim3A_304 = arith.constant 20 : i32
    %broadcast_in_dim3A_305 = vector.broadcast %broadcast_in_dim3A_304 : i32 to vector<16xi32>
    %broadcast_in_dim3A_306 = arith.constant 21 : i32
    %broadcast_in_dim3A_307 = vector.broadcast %broadcast_in_dim3A_306 : i32 to vector<16xi32>
    %broadcast_in_dim3A_308 = arith.constant 22 : i32
    %broadcast_in_dim3A_309 = vector.broadcast %broadcast_in_dim3A_308 : i32 to vector<16xi32>
    %broadcast_in_dim3A_310 = arith.constant 23 : i32
    %broadcast_in_dim3A_311 = vector.broadcast %broadcast_in_dim3A_310 : i32 to vector<16xi32>
    %broadcast_in_dim3A_312 = arith.constant 24 : i32
    %broadcast_in_dim3A_313 = vector.broadcast %broadcast_in_dim3A_312 : i32 to vector<16xi32>
    %broadcast_in_dim3A_314 = arith.constant 25 : i32
    %broadcast_in_dim3A_315 = vector.broadcast %broadcast_in_dim3A_314 : i32 to vector<16xi32>
    %broadcast_in_dim3A_316 = arith.constant 26 : i32
    %broadcast_in_dim3A_317 = vector.broadcast %broadcast_in_dim3A_316 : i32 to vector<16xi32>
    %broadcast_in_dim3A_318 = arith.constant 27 : i32
    %broadcast_in_dim3A_319 = vector.broadcast %broadcast_in_dim3A_318 : i32 to vector<16xi32>
    %broadcast_in_dim3A_320 = arith.constant 28 : i32
    %broadcast_in_dim3A_321 = vector.broadcast %broadcast_in_dim3A_320 : i32 to vector<16xi32>
    %broadcast_in_dim3A_322 = arith.constant 29 : i32
    %broadcast_in_dim3A_323 = vector.broadcast %broadcast_in_dim3A_322 : i32 to vector<16xi32>
    %broadcast_in_dim3A_324 = arith.constant 30 : i32
    %broadcast_in_dim3A_325 = vector.broadcast %broadcast_in_dim3A_324 : i32 to vector<16xi32>
    %broadcast_in_dim3A_326 = arith.constant 31 : i32
    %broadcast_in_dim3A_327 = vector.broadcast %broadcast_in_dim3A_326 : i32 to vector<16xi32>
    %scan3A = arith.constant 0 : i32
    %scan3A_328 = arith.constant 0 : i32
    %scan3A_329 = arith.constant 32 : i32
    %scan3A_330 = arith.addi %scan3A_328, %scan3A_329 : i32
    %scan3A_331 = arith.constant 1 : i32
    scf.for %scan3A_333 = %scan3A_328 to %scan3A_330 step %scan3A_331  : i32 {
      %mul3A_334 = arith.constant 16 : i32
      %mul3A_335 = arith.muli %scan3A_333, %mul3A_334 : i32
      %iota3A = tpu.iota {dimensions = array<i32: 0>} : vector<16xi32>
      %add3A_336 = vector.broadcast %mul3A_335 : i32 to vector<16xi32>
      %add3A_337 = arith.addi %add3A_336, %iota3A : vector<16xi32>
      %broadcast_in_dim3A_338 = arith.constant 0.000000e+00 : f32
      %broadcast_in_dim3A_339 = vector.broadcast %broadcast_in_dim3A_338 : f32 to vector<16xf32>
      %broadcast_in_dim3A_340 = arith.constant 0.000000e+00 : f32
      %broadcast_in_dim3A_341 = vector.broadcast %broadcast_in_dim3A_340 : f32 to vector<16xf32>
      %broadcast_in_dim3A_342 = arith.constant 0.000000e+00 : f32
      %broadcast_in_dim3A_343 = vector.broadcast %broadcast_in_dim3A_342 : f32 to vector<16xf32>
      %gather3A = tpu.vector_load_idx %arg7[%add3A_337, %broadcast_in_dim3A_265] : memref<512x32xf32, #tpu.memory_space<vmem>>[vector<16xi32>, vector<16xi32>], vector<16xf32>,
      %abs3A = math.absf %gather3A : vector<16xf32>
      %add3A_344 = arith.addf %broadcast_in_dim3A_339, %abs3A : vector<16xf32>
      %gather3A_345 = tpu.vector_load_idx %arg8[%add3A_337, %broadcast_in_dim3A_265] : memref<512x32xf32, #tpu.memory_space<vmem>>[vector<16xi32>, vector<16xi32>], vector<16xf32>,
      %abs3A_346 = math.absf %gather3A_345 : vector<16xf32>
      %add3A_347 = arith.addf %broadcast_in_dim3A_341, %abs3A_346 : vector<16xf32>
      %gather3A_348 = tpu.vector_load_idx %arg9[%add3A_337, %broadcast_in_dim3A_265] : memref<512x32xf32, #tpu.memory_space<vmem>>[vector<16xi32>, vector<16xi32>], vector<16xf32>,
      %abs3A_349 = math.absf %gather3A_348 : vector<16xf32>
      %add3A_350 = arith.addf %broadcast_in_dim3A_343, %abs3A_349 : vector<16xf32>
      %gather3A_351 = tpu.vector_load_idx %arg7[%add3A_337, %broadcast_in_dim3A_267] : memref<512x32xf32, #tpu.memory_space<vmem>>[vector<16xi32>, vector<16xi32>], vector<16xf32>,
      %abs3A_352 = math.absf %gather3A_351 : vector<16xf32>
      %add3A_353 = arith.addf %add3A_344, %abs3A_352 : vector<16xf32>
      %gather3A_354 = tpu.vector_load_idx %arg8[%add3A_337, %broadcast_in_dim3A_267] : memref<512x32xf32, #tpu.memory_space<vmem>>[vector<16xi32>, vector<16xi32>], vector<16xf32>,
      %abs3A_355 = math.absf %gather3A_354 : vector<16xf32>
      %add3A_356 = arith.addf %add3A_347, %abs3A_355 : vector<16xf32>
      %gather3A_357 = tpu.vector_load_idx %arg9[%add3A_337, %broadcast_in_dim3A_267] : memref<512x32xf32, #tpu.memory_space<vmem>>[vector<16xi32>, vector<16xi32>], vector<16xf32>,
      %abs3A_358 = math.absf %gather3A_357 : vector<16xf32>
      %add3A_359 = arith.addf %add3A_350, %abs3A_358 : vector<16xf32>
      %gather3A_360 = tpu.vector_load_idx %arg7[%add3A_337, %broadcast_in_dim3A_269] : memref<512x32xf32, #tpu.memory_space<vmem>>[vector<16xi32>, vector<16xi32>], vector<16xf32>,
      %abs3A_361 = math.absf %gather3A_360 : vector<16xf32>
      %add3A_362 = arith.addf %add3A_353, %abs3A_361 : vector<16xf32>
      %gather3A_363 = tpu.vector_load_idx %arg8[%add3A_337, %broadcast_in_dim3A_269] : memref<512x32xf32, #tpu.memory_space<vmem>>[vector<16xi32>, vector<16xi32>], vector<16xf32>,
      %abs3A_364 = math.absf %gather3A_363 : vector<16xf32>
      %add3A_365 = arith.addf %add3A_356, %abs3A_364 : vector<16xf32>
      %gather3A_366 = tpu.vector_load_idx %arg9[%add3A_337, %broadcast_in_dim3A_269] : memref<512x32xf32, #tpu.memory_space<vmem>>[vector<16xi32>, vector<16xi32>], vector<16xf32>,
      %abs3A_367 = math.absf %gather3A_366 : vector<16xf32>
      %add3A_368 = arith.addf %add3A_359, %abs3A_367 : vector<16xf32>
      %gather3A_369 = tpu.vector_load_idx %arg7[%add3A_337, %broadcast_in_dim3A_271] : memref<512x32xf32, #tpu.memory_space<vmem>>[vector<16xi32>, vector<16xi32>], vector<16xf32>,
      %abs3A_370 = math.absf %gather3A_369 : vector<16xf32>
      %add3A_371 = arith.addf %add3A_362, %abs3A_370 : vector<16xf32>
      %gather3A_372 = tpu.vector_load_idx %arg8[%add3A_337, %broadcast_in_dim3A_271] : memref<512x32xf32, #tpu.memory_space<vmem>>[vector<16xi32>, vector<16xi32>], vector<16xf32>,
      %abs3A_373 = math.absf %gather3A_372 : vector<16xf32>
      %add3A_374 = arith.addf %add3A_365, %abs3A_373 : vector<16xf32>
      %gather3A_375 = tpu.vector_load_idx %arg9[%add3A_337, %broadcast_in_dim3A_271] : memref<512x32xf32, #tpu.memory_space<vmem>>[vector<16xi32>, vector<16xi32>], vector<16xf32>,
      %abs3A_376 = math.absf %gather3A_375 : vector<16xf32>
      %add3A_377 = arith.addf %add3A_368, %abs3A_376 : vector<16xf32>
      %gather3A_378 = tpu.vector_load_idx %arg7[%add3A_337, %broadcast_in_dim3A_273] : memref<512x32xf32, #tpu.memory_space<vmem>>[vector<16xi32>, vector<16xi32>], vector<16xf32>,
      %abs3A_379 = math.absf %gather3A_378 : vector<16xf32>
      %add3A_380 = arith.addf %add3A_371, %abs3A_379 : vector<16xf32>
      %gather3A_381 = tpu.vector_load_idx %arg8[%add3A_337, %broadcast_in_dim3A_273] : memref<512x32xf32, #tpu.memory_space<vmem>>[vector<16xi32>, vector<16xi32>], vector<16xf32>,
      %abs3A_382 = math.absf %gather3A_381 : vector<16xf32>
      %add3A_383 = arith.addf %add3A_374, %abs3A_382 : vector<16xf32>
      %gather3A_384 = tpu.vector_load_idx %arg9[%add3A_337, %broadcast_in_dim3A_273] : memref<512x32xf32, #tpu.memory_space<vmem>>[vector<16xi32>, vector<16xi32>], vector<16xf32>,
      %abs3A_385 = math.absf %gather3A_384 : vector<16xf32>
      %add3A_386 = arith.addf %add3A_377, %abs3A_385 : vector<16xf32>
      %gather3A_387 = tpu.vector_load_idx %arg7[%add3A_337, %broadcast_in_dim3A_275] : memref<512x32xf32, #tpu.memory_space<vmem>>[vector<16xi32>, vector<16xi32>], vector<16xf32>,
      %abs3A_388 = math.absf %gather3A_387 : vector<16xf32>
      %add3A_389 = arith.addf %add3A_380, %abs3A_388 : vector<16xf32>
      %gather3A_390 = tpu.vector_load_idx %arg8[%add3A_337, %broadcast_in_dim3A_275] : memref<512x32xf32, #tpu.memory_space<vmem>>[vector<16xi32>, vector<16xi32>], vector<16xf32>,
      %abs3A_391 = math.absf %gather3A_390 : vector<16xf32>
      %add3A_392 = arith.addf %add3A_383, %abs3A_391 : vector<16xf32>
      %gather3A_393 = tpu.vector_load_idx %arg9[%add3A_337, %broadcast_in_dim3A_275] : memref<512x32xf32, #tpu.memory_space<vmem>>[vector<16xi32>, vector<16xi32>], vector<16xf32>,
      %abs3A_394 = math.absf %gather3A_393 : vector<16xf32>
      %add3A_395 = arith.addf %add3A_386, %abs3A_394 : vector<16xf32>
      %gather3A_396 = tpu.vector_load_idx %arg7[%add3A_337, %broadcast_in_dim3A_277] : memref<512x32xf32, #tpu.memory_space<vmem>>[vector<16xi32>, vector<16xi32>], vector<16xf32>,
      %abs3A_397 = math.absf %gather3A_396 : vector<16xf32>
      %add3A_398 = arith.addf %add3A_389, %abs3A_397 : vector<16xf32>
      %gather3A_399 = tpu.vector_load_idx %arg8[%add3A_337, %broadcast_in_dim3A_277] : memref<512x32xf32, #tpu.memory_space<vmem>>[vector<16xi32>, vector<16xi32>], vector<16xf32>,
      %abs3A_400 = math.absf %gather3A_399 : vector<16xf32>
      %add3A_401 = arith.addf %add3A_392, %abs3A_400 : vector<16xf32>
      %gather3A_402 = tpu.vector_load_idx %arg9[%add3A_337, %broadcast_in_dim3A_277] : memref<512x32xf32, #tpu.memory_space<vmem>>[vector<16xi32>, vector<16xi32>], vector<16xf32>,
      %abs3A_403 = math.absf %gather3A_402 : vector<16xf32>
      %add3A_404 = arith.addf %add3A_395, %abs3A_403 : vector<16xf32>
      %gather3A_405 = tpu.vector_load_idx %arg7[%add3A_337, %broadcast_in_dim3A_279] : memref<512x32xf32, #tpu.memory_space<vmem>>[vector<16xi32>, vector<16xi32>], vector<16xf32>,
      %abs3A_406 = math.absf %gather3A_405 : vector<16xf32>
      %add3A_407 = arith.addf %add3A_398, %abs3A_406 : vector<16xf32>
      %gather3A_408 = tpu.vector_load_idx %arg8[%add3A_337, %broadcast_in_dim3A_279] : memref<512x32xf32, #tpu.memory_space<vmem>>[vector<16xi32>, vector<16xi32>], vector<16xf32>,
      %abs3A_409 = math.absf %gather3A_408 : vector<16xf32>
      %add3A_410 = arith.addf %add3A_401, %abs3A_409 : vector<16xf32>
      %gather3A_411 = tpu.vector_load_idx %arg9[%add3A_337, %broadcast_in_dim3A_279] : memref<512x32xf32, #tpu.memory_space<vmem>>[vector<16xi32>, vector<16xi32>], vector<16xf32>,
      %abs3A_412 = math.absf %gather3A_411 : vector<16xf32>
      %add3A_413 = arith.addf %add3A_404, %abs3A_412 : vector<16xf32>
      %gather3A_414 = tpu.vector_load_idx %arg7[%add3A_337, %broadcast_in_dim3A_281] : memref<512x32xf32, #tpu.memory_space<vmem>>[vector<16xi32>, vector<16xi32>], vector<16xf32>,
      %abs3A_415 = math.absf %gather3A_414 : vector<16xf32>
      %add3A_416 = arith.addf %add3A_407, %abs3A_415 : vector<16xf32>
      %gather3A_417 = tpu.vector_load_idx %arg8[%add3A_337, %broadcast_in_dim3A_281] : memref<512x32xf32, #tpu.memory_space<vmem>>[vector<16xi32>, vector<16xi32>], vector<16xf32>,
      %abs3A_418 = math.absf %gather3A_417 : vector<16xf32>
      %add3A_419 = arith.addf %add3A_410, %abs3A_418 : vector<16xf32>
      %gather3A_420 = tpu.vector_load_idx %arg9[%add3A_337, %broadcast_in_dim3A_281] : memref<512x32xf32, #tpu.memory_space<vmem>>[vector<16xi32>, vector<16xi32>], vector<16xf32>,
      %abs3A_421 = math.absf %gather3A_420 : vector<16xf32>
      %add3A_422 = arith.addf %add3A_413, %abs3A_421 : vector<16xf32>
      %gather3A_423 = tpu.vector_load_idx %arg7[%add3A_337, %broadcast_in_dim3A_283] : memref<512x32xf32, #tpu.memory_space<vmem>>[vector<16xi32>, vector<16xi32>], vector<16xf32>,
      %abs3A_424 = math.absf %gather3A_423 : vector<16xf32>
      %add3A_425 = arith.addf %add3A_416, %abs3A_424 : vector<16xf32>
      %gather3A_426 = tpu.vector_load_idx %arg8[%add3A_337, %broadcast_in_dim3A_283] : memref<512x32xf32, #tpu.memory_space<vmem>>[vector<16xi32>, vector<16xi32>], vector<16xf32>,
      %abs3A_427 = math.absf %gather3A_426 : vector<16xf32>
      %add3A_428 = arith.addf %add3A_419, %abs3A_427 : vector<16xf32>
      %gather3A_429 = tpu.vector_load_idx %arg9[%add3A_337, %broadcast_in_dim3A_283] : memref<512x32xf32, #tpu.memory_space<vmem>>[vector<16xi32>, vector<16xi32>], vector<16xf32>,
      %abs3A_430 = math.absf %gather3A_429 : vector<16xf32>
      %add3A_431 = arith.addf %add3A_422, %abs3A_430 : vector<16xf32>
      %gather3A_432 = tpu.vector_load_idx %arg7[%add3A_337, %broadcast_in_dim3A_285] : memref<512x32xf32, #tpu.memory_space<vmem>>[vector<16xi32>, vector<16xi32>], vector<16xf32>,
      %abs3A_433 = math.absf %gather3A_432 : vector<16xf32>
      %add3A_434 = arith.addf %add3A_425, %abs3A_433 : vector<16xf32>
      %gather3A_435 = tpu.vector_load_idx %arg8[%add3A_337, %broadcast_in_dim3A_285] : memref<512x32xf32, #tpu.memory_space<vmem>>[vector<16xi32>, vector<16xi32>], vector<16xf32>,
      %abs3A_436 = math.absf %gather3A_435 : vector<16xf32>
      %add3A_437 = arith.addf %add3A_428, %abs3A_436 : vector<16xf32>
      %gather3A_438 = tpu.vector_load_idx %arg9[%add3A_337, %broadcast_in_dim3A_285] : memref<512x32xf32, #tpu.memory_space<vmem>>[vector<16xi32>, vector<16xi32>], vector<16xf32>,
      %abs3A_439 = math.absf %gather3A_438 : vector<16xf32>
      %add3A_440 = arith.addf %add3A_431, %abs3A_439 : vector<16xf32>
      %gather3A_441 = tpu.vector_load_idx %arg7[%add3A_337, %broadcast_in_dim3A_287] : memref<512x32xf32, #tpu.memory_space<vmem>>[vector<16xi32>, vector<16xi32>], vector<16xf32>,
      %abs3A_442 = math.absf %gather3A_441 : vector<16xf32>
      %add3A_443 = arith.addf %add3A_434, %abs3A_442 : vector<16xf32>
      %gather3A_444 = tpu.vector_load_idx %arg8[%add3A_337, %broadcast_in_dim3A_287] : memref<512x32xf32, #tpu.memory_space<vmem>>[vector<16xi32>, vector<16xi32>], vector<16xf32>,
      %abs3A_445 = math.absf %gather3A_444 : vector<16xf32>
      %add3A_446 = arith.addf %add3A_437, %abs3A_445 : vector<16xf32>
      %gather3A_447 = tpu.vector_load_idx %arg9[%add3A_337, %broadcast_in_dim3A_287] : memref<512x32xf32, #tpu.memory_space<vmem>>[vector<16xi32>, vector<16xi32>], vector<16xf32>,
      %abs3A_448 = math.absf %gather3A_447 : vector<16xf32>
      %add3A_449 = arith.addf %add3A_440, %abs3A_448 : vector<16xf32>
      %gather3A_450 = tpu.vector_load_idx %arg7[%add3A_337, %broadcast_in_dim3A_289] : memref<512x32xf32, #tpu.memory_space<vmem>>[vector<16xi32>, vector<16xi32>], vector<16xf32>,
      %abs3A_451 = math.absf %gather3A_450 : vector<16xf32>
      %add3A_452 = arith.addf %add3A_443, %abs3A_451 : vector<16xf32>
      %gather3A_453 = tpu.vector_load_idx %arg8[%add3A_337, %broadcast_in_dim3A_289] : memref<512x32xf32, #tpu.memory_space<vmem>>[vector<16xi32>, vector<16xi32>], vector<16xf32>,
      %abs3A_454 = math.absf %gather3A_453 : vector<16xf32>
      %add3A_455 = arith.addf %add3A_446, %abs3A_454 : vector<16xf32>
      %gather3A_456 = tpu.vector_load_idx %arg9[%add3A_337, %broadcast_in_dim3A_289] : memref<512x32xf32, #tpu.memory_space<vmem>>[vector<16xi32>, vector<16xi32>], vector<16xf32>,
      %abs3A_457 = math.absf %gather3A_456 : vector<16xf32>
      %add3A_458 = arith.addf %add3A_449, %abs3A_457 : vector<16xf32>
      %gather3A_459 = tpu.vector_load_idx %arg7[%add3A_337, %broadcast_in_dim3A_291] : memref<512x32xf32, #tpu.memory_space<vmem>>[vector<16xi32>, vector<16xi32>], vector<16xf32>,
      %abs3A_460 = math.absf %gather3A_459 : vector<16xf32>
      %add3A_461 = arith.addf %add3A_452, %abs3A_460 : vector<16xf32>
      %gather3A_462 = tpu.vector_load_idx %arg8[%add3A_337, %broadcast_in_dim3A_291] : memref<512x32xf32, #tpu.memory_space<vmem>>[vector<16xi32>, vector<16xi32>], vector<16xf32>,
      %abs3A_463 = math.absf %gather3A_462 : vector<16xf32>
      %add3A_464 = arith.addf %add3A_455, %abs3A_463 : vector<16xf32>
      %gather3A_465 = tpu.vector_load_idx %arg9[%add3A_337, %broadcast_in_dim3A_291] : memref<512x32xf32, #tpu.memory_space<vmem>>[vector<16xi32>, vector<16xi32>], vector<16xf32>,
      %abs3A_466 = math.absf %gather3A_465 : vector<16xf32>
      %add3A_467 = arith.addf %add3A_458, %abs3A_466 : vector<16xf32>
      %gather3A_468 = tpu.vector_load_idx %arg7[%add3A_337, %broadcast_in_dim3A_293] : memref<512x32xf32, #tpu.memory_space<vmem>>[vector<16xi32>, vector<16xi32>], vector<16xf32>,
      %abs3A_469 = math.absf %gather3A_468 : vector<16xf32>
      %add3A_470 = arith.addf %add3A_461, %abs3A_469 : vector<16xf32>
      %gather3A_471 = tpu.vector_load_idx %arg8[%add3A_337, %broadcast_in_dim3A_293] : memref<512x32xf32, #tpu.memory_space<vmem>>[vector<16xi32>, vector<16xi32>], vector<16xf32>,
      %abs3A_472 = math.absf %gather3A_471 : vector<16xf32>
      %add3A_473 = arith.addf %add3A_464, %abs3A_472 : vector<16xf32>
      %gather3A_474 = tpu.vector_load_idx %arg9[%add3A_337, %broadcast_in_dim3A_293] : memref<512x32xf32, #tpu.memory_space<vmem>>[vector<16xi32>, vector<16xi32>], vector<16xf32>,
      %abs3A_475 = math.absf %gather3A_474 : vector<16xf32>
      %add3A_476 = arith.addf %add3A_467, %abs3A_475 : vector<16xf32>
      %gather3A_477 = tpu.vector_load_idx %arg7[%add3A_337, %broadcast_in_dim3A_295] : memref<512x32xf32, #tpu.memory_space<vmem>>[vector<16xi32>, vector<16xi32>], vector<16xf32>,
      %abs3A_478 = math.absf %gather3A_477 : vector<16xf32>
      %add3A_479 = arith.addf %add3A_470, %abs3A_478 : vector<16xf32>
      %gather3A_480 = tpu.vector_load_idx %arg8[%add3A_337, %broadcast_in_dim3A_295] : memref<512x32xf32, #tpu.memory_space<vmem>>[vector<16xi32>, vector<16xi32>], vector<16xf32>,
      %abs3A_481 = math.absf %gather3A_480 : vector<16xf32>
      %add3A_482 = arith.addf %add3A_473, %abs3A_481 : vector<16xf32>
      %gather3A_483 = tpu.vector_load_idx %arg9[%add3A_337, %broadcast_in_dim3A_295] : memref<512x32xf32, #tpu.memory_space<vmem>>[vector<16xi32>, vector<16xi32>], vector<16xf32>,
      %abs3A_484 = math.absf %gather3A_483 : vector<16xf32>
      %add3A_485 = arith.addf %add3A_476, %abs3A_484 : vector<16xf32>
      %gather3A_486 = tpu.vector_load_idx %arg7[%add3A_337, %broadcast_in_dim3A_297] : memref<512x32xf32, #tpu.memory_space<vmem>>[vector<16xi32>, vector<16xi32>], vector<16xf32>,
      %abs3A_487 = math.absf %gather3A_486 : vector<16xf32>
      %add3A_488 = arith.addf %add3A_479, %abs3A_487 : vector<16xf32>
      %gather3A_489 = tpu.vector_load_idx %arg8[%add3A_337, %broadcast_in_dim3A_297] : memref<512x32xf32, #tpu.memory_space<vmem>>[vector<16xi32>, vector<16xi32>], vector<16xf32>,
      %abs3A_490 = math.absf %gather3A_489 : vector<16xf32>
      %add3A_491 = arith.addf %add3A_482, %abs3A_490 : vector<16xf32>
      %gather3A_492 = tpu.vector_load_idx %arg9[%add3A_337, %broadcast_in_dim3A_297] : memref<512x32xf32, #tpu.memory_space<vmem>>[vector<16xi32>, vector<16xi32>], vector<16xf32>,
      %abs3A_493 = math.absf %gather3A_492 : vector<16xf32>
      %add3A_494 = arith.addf %add3A_485, %abs3A_493 : vector<16xf32>
      %gather3A_495 = tpu.vector_load_idx %arg7[%add3A_337, %broadcast_in_dim3A_299] : memref<512x32xf32, #tpu.memory_space<vmem>>[vector<16xi32>, vector<16xi32>], vector<16xf32>,
      %abs3A_496 = math.absf %gather3A_495 : vector<16xf32>
      %add3A_497 = arith.addf %add3A_488, %abs3A_496 : vector<16xf32>
      %gather3A_498 = tpu.vector_load_idx %arg8[%add3A_337, %broadcast_in_dim3A_299] : memref<512x32xf32, #tpu.memory_space<vmem>>[vector<16xi32>, vector<16xi32>], vector<16xf32>,
      %abs3A_499 = math.absf %gather3A_498 : vector<16xf32>
      %add3A_500 = arith.addf %add3A_491, %abs3A_499 : vector<16xf32>
      %gather3A_501 = tpu.vector_load_idx %arg9[%add3A_337, %broadcast_in_dim3A_299] : memref<512x32xf32, #tpu.memory_space<vmem>>[vector<16xi32>, vector<16xi32>], vector<16xf32>,
      %abs3A_502 = math.absf %gather3A_501 : vector<16xf32>
      %add3A_503 = arith.addf %add3A_494, %abs3A_502 : vector<16xf32>
      %gather3A_504 = tpu.vector_load_idx %arg7[%add3A_337, %broadcast_in_dim3A_301] : memref<512x32xf32, #tpu.memory_space<vmem>>[vector<16xi32>, vector<16xi32>], vector<16xf32>,
      %abs3A_505 = math.absf %gather3A_504 : vector<16xf32>
      %add3A_506 = arith.addf %add3A_497, %abs3A_505 : vector<16xf32>
      %gather3A_507 = tpu.vector_load_idx %arg8[%add3A_337, %broadcast_in_dim3A_301] : memref<512x32xf32, #tpu.memory_space<vmem>>[vector<16xi32>, vector<16xi32>], vector<16xf32>,
      %abs3A_508 = math.absf %gather3A_507 : vector<16xf32>
      %add3A_509 = arith.addf %add3A_500, %abs3A_508 : vector<16xf32>
      %gather3A_510 = tpu.vector_load_idx %arg9[%add3A_337, %broadcast_in_dim3A_301] : memref<512x32xf32, #tpu.memory_space<vmem>>[vector<16xi32>, vector<16xi32>], vector<16xf32>,
      %abs3A_511 = math.absf %gather3A_510 : vector<16xf32>
      %add3A_512 = arith.addf %add3A_503, %abs3A_511 : vector<16xf32>
      %gather3A_513 = tpu.vector_load_idx %arg7[%add3A_337, %broadcast_in_dim3A_303] : memref<512x32xf32, #tpu.memory_space<vmem>>[vector<16xi32>, vector<16xi32>], vector<16xf32>,
      %abs3A_514 = math.absf %gather3A_513 : vector<16xf32>
      %add3A_515 = arith.addf %add3A_506, %abs3A_514 : vector<16xf32>
      %gather3A_516 = tpu.vector_load_idx %arg8[%add3A_337, %broadcast_in_dim3A_303] : memref<512x32xf32, #tpu.memory_space<vmem>>[vector<16xi32>, vector<16xi32>], vector<16xf32>,
      %abs3A_517 = math.absf %gather3A_516 : vector<16xf32>
      %add3A_518 = arith.addf %add3A_509, %abs3A_517 : vector<16xf32>
      %gather3A_519 = tpu.vector_load_idx %arg9[%add3A_337, %broadcast_in_dim3A_303] : memref<512x32xf32, #tpu.memory_space<vmem>>[vector<16xi32>, vector<16xi32>], vector<16xf32>,
      %abs3A_520 = math.absf %gather3A_519 : vector<16xf32>
      %add3A_521 = arith.addf %add3A_512, %abs3A_520 : vector<16xf32>
      %gather3A_522 = tpu.vector_load_idx %arg7[%add3A_337, %broadcast_in_dim3A_305] : memref<512x32xf32, #tpu.memory_space<vmem>>[vector<16xi32>, vector<16xi32>], vector<16xf32>,
      %abs3A_523 = math.absf %gather3A_522 : vector<16xf32>
      %add3A_524 = arith.addf %add3A_515, %abs3A_523 : vector<16xf32>
      %gather3A_525 = tpu.vector_load_idx %arg8[%add3A_337, %broadcast_in_dim3A_305] : memref<512x32xf32, #tpu.memory_space<vmem>>[vector<16xi32>, vector<16xi32>], vector<16xf32>,
      %abs3A_526 = math.absf %gather3A_525 : vector<16xf32>
      %add3A_527 = arith.addf %add3A_518, %abs3A_526 : vector<16xf32>
      %gather3A_528 = tpu.vector_load_idx %arg9[%add3A_337, %broadcast_in_dim3A_305] : memref<512x32xf32, #tpu.memory_space<vmem>>[vector<16xi32>, vector<16xi32>], vector<16xf32>,
      %abs3A_529 = math.absf %gather3A_528 : vector<16xf32>
      %add3A_530 = arith.addf %add3A_521, %abs3A_529 : vector<16xf32>
      %gather3A_531 = tpu.vector_load_idx %arg7[%add3A_337, %broadcast_in_dim3A_307] : memref<512x32xf32, #tpu.memory_space<vmem>>[vector<16xi32>, vector<16xi32>], vector<16xf32>,
      %abs3A_532 = math.absf %gather3A_531 : vector<16xf32>
      %add3A_533 = arith.addf %add3A_524, %abs3A_532 : vector<16xf32>
      %gather3A_534 = tpu.vector_load_idx %arg8[%add3A_337, %broadcast_in_dim3A_307] : memref<512x32xf32, #tpu.memory_space<vmem>>[vector<16xi32>, vector<16xi32>], vector<16xf32>,
      %abs3A_535 = math.absf %gather3A_534 : vector<16xf32>
      %add3A_536 = arith.addf %add3A_527, %abs3A_535 : vector<16xf32>
      %gather3A_537 = tpu.vector_load_idx %arg9[%add3A_337, %broadcast_in_dim3A_307] : memref<512x32xf32, #tpu.memory_space<vmem>>[vector<16xi32>, vector<16xi32>], vector<16xf32>,
      %abs3A_538 = math.absf %gather3A_537 : vector<16xf32>
      %add3A_539 = arith.addf %add3A_530, %abs3A_538 : vector<16xf32>
      %gather3A_540 = tpu.vector_load_idx %arg7[%add3A_337, %broadcast_in_dim3A_309] : memref<512x32xf32, #tpu.memory_space<vmem>>[vector<16xi32>, vector<16xi32>], vector<16xf32>,
      %abs3A_541 = math.absf %gather3A_540 : vector<16xf32>
      %add3A_542 = arith.addf %add3A_533, %abs3A_541 : vector<16xf32>
      %gather3A_543 = tpu.vector_load_idx %arg8[%add3A_337, %broadcast_in_dim3A_309] : memref<512x32xf32, #tpu.memory_space<vmem>>[vector<16xi32>, vector<16xi32>], vector<16xf32>,
      %abs3A_544 = math.absf %gather3A_543 : vector<16xf32>
      %add3A_545 = arith.addf %add3A_536, %abs3A_544 : vector<16xf32>
      %gather3A_546 = tpu.vector_load_idx %arg9[%add3A_337, %broadcast_in_dim3A_309] : memref<512x32xf32, #tpu.memory_space<vmem>>[vector<16xi32>, vector<16xi32>], vector<16xf32>,
      %abs3A_547 = math.absf %gather3A_546 : vector<16xf32>
      %add3A_548 = arith.addf %add3A_539, %abs3A_547 : vector<16xf32>
      %gather3A_549 = tpu.vector_load_idx %arg7[%add3A_337, %broadcast_in_dim3A_311] : memref<512x32xf32, #tpu.memory_space<vmem>>[vector<16xi32>, vector<16xi32>], vector<16xf32>,
      %abs3A_550 = math.absf %gather3A_549 : vector<16xf32>
      %add3A_551 = arith.addf %add3A_542, %abs3A_550 : vector<16xf32>
      %gather3A_552 = tpu.vector_load_idx %arg8[%add3A_337, %broadcast_in_dim3A_311] : memref<512x32xf32, #tpu.memory_space<vmem>>[vector<16xi32>, vector<16xi32>], vector<16xf32>,
      %abs3A_553 = math.absf %gather3A_552 : vector<16xf32>
      %add3A_554 = arith.addf %add3A_545, %abs3A_553 : vector<16xf32>
      %gather3A_555 = tpu.vector_load_idx %arg9[%add3A_337, %broadcast_in_dim3A_311] : memref<512x32xf32, #tpu.memory_space<vmem>>[vector<16xi32>, vector<16xi32>], vector<16xf32>,
      %abs3A_556 = math.absf %gather3A_555 : vector<16xf32>
      %add3A_557 = arith.addf %add3A_548, %abs3A_556 : vector<16xf32>
      %gather3A_558 = tpu.vector_load_idx %arg7[%add3A_337, %broadcast_in_dim3A_313] : memref<512x32xf32, #tpu.memory_space<vmem>>[vector<16xi32>, vector<16xi32>], vector<16xf32>,
      %abs3A_559 = math.absf %gather3A_558 : vector<16xf32>
      %add3A_560 = arith.addf %add3A_551, %abs3A_559 : vector<16xf32>
      %gather3A_561 = tpu.vector_load_idx %arg8[%add3A_337, %broadcast_in_dim3A_313] : memref<512x32xf32, #tpu.memory_space<vmem>>[vector<16xi32>, vector<16xi32>], vector<16xf32>,
      %abs3A_562 = math.absf %gather3A_561 : vector<16xf32>
      %add3A_563 = arith.addf %add3A_554, %abs3A_562 : vector<16xf32>
      %gather3A_564 = tpu.vector_load_idx %arg9[%add3A_337, %broadcast_in_dim3A_313] : memref<512x32xf32, #tpu.memory_space<vmem>>[vector<16xi32>, vector<16xi32>], vector<16xf32>,
      %abs3A_565 = math.absf %gather3A_564 : vector<16xf32>
      %add3A_566 = arith.addf %add3A_557, %abs3A_565 : vector<16xf32>
      %gather3A_567 = tpu.vector_load_idx %arg7[%add3A_337, %broadcast_in_dim3A_315] : memref<512x32xf32, #tpu.memory_space<vmem>>[vector<16xi32>, vector<16xi32>], vector<16xf32>,
      %abs3A_568 = math.absf %gather3A_567 : vector<16xf32>
      %add3A_569 = arith.addf %add3A_560, %abs3A_568 : vector<16xf32>
      %gather3A_570 = tpu.vector_load_idx %arg8[%add3A_337, %broadcast_in_dim3A_315] : memref<512x32xf32, #tpu.memory_space<vmem>>[vector<16xi32>, vector<16xi32>], vector<16xf32>,
      %abs3A_571 = math.absf %gather3A_570 : vector<16xf32>
      %add3A_572 = arith.addf %add3A_563, %abs3A_571 : vector<16xf32>
      %gather3A_573 = tpu.vector_load_idx %arg9[%add3A_337, %broadcast_in_dim3A_315] : memref<512x32xf32, #tpu.memory_space<vmem>>[vector<16xi32>, vector<16xi32>], vector<16xf32>,
      %abs3A_574 = math.absf %gather3A_573 : vector<16xf32>
      %add3A_575 = arith.addf %add3A_566, %abs3A_574 : vector<16xf32>
      %gather3A_576 = tpu.vector_load_idx %arg7[%add3A_337, %broadcast_in_dim3A_317] : memref<512x32xf32, #tpu.memory_space<vmem>>[vector<16xi32>, vector<16xi32>], vector<16xf32>,
      %abs3A_577 = math.absf %gather3A_576 : vector<16xf32>
      %add3A_578 = arith.addf %add3A_569, %abs3A_577 : vector<16xf32>
      %gather3A_579 = tpu.vector_load_idx %arg8[%add3A_337, %broadcast_in_dim3A_317] : memref<512x32xf32, #tpu.memory_space<vmem>>[vector<16xi32>, vector<16xi32>], vector<16xf32>,
      %abs3A_580 = math.absf %gather3A_579 : vector<16xf32>
      %add3A_581 = arith.addf %add3A_572, %abs3A_580 : vector<16xf32>
      %gather3A_582 = tpu.vector_load_idx %arg9[%add3A_337, %broadcast_in_dim3A_317] : memref<512x32xf32, #tpu.memory_space<vmem>>[vector<16xi32>, vector<16xi32>], vector<16xf32>,
      %abs3A_583 = math.absf %gather3A_582 : vector<16xf32>
      %add3A_584 = arith.addf %add3A_575, %abs3A_583 : vector<16xf32>
      %gather3A_585 = tpu.vector_load_idx %arg7[%add3A_337, %broadcast_in_dim3A_319] : memref<512x32xf32, #tpu.memory_space<vmem>>[vector<16xi32>, vector<16xi32>], vector<16xf32>,
      %abs3A_586 = math.absf %gather3A_585 : vector<16xf32>
      %add3A_587 = arith.addf %add3A_578, %abs3A_586 : vector<16xf32>
      %gather3A_588 = tpu.vector_load_idx %arg8[%add3A_337, %broadcast_in_dim3A_319] : memref<512x32xf32, #tpu.memory_space<vmem>>[vector<16xi32>, vector<16xi32>], vector<16xf32>,
      %abs3A_589 = math.absf %gather3A_588 : vector<16xf32>
      %add3A_590 = arith.addf %add3A_581, %abs3A_589 : vector<16xf32>
      %gather3A_591 = tpu.vector_load_idx %arg9[%add3A_337, %broadcast_in_dim3A_319] : memref<512x32xf32, #tpu.memory_space<vmem>>[vector<16xi32>, vector<16xi32>], vector<16xf32>,
      %abs3A_592 = math.absf %gather3A_591 : vector<16xf32>
      %add3A_593 = arith.addf %add3A_584, %abs3A_592 : vector<16xf32>
      %gather3A_594 = tpu.vector_load_idx %arg7[%add3A_337, %broadcast_in_dim3A_321] : memref<512x32xf32, #tpu.memory_space<vmem>>[vector<16xi32>, vector<16xi32>], vector<16xf32>,
      %abs3A_595 = math.absf %gather3A_594 : vector<16xf32>
      %add3A_596 = arith.addf %add3A_587, %abs3A_595 : vector<16xf32>
      %gather3A_597 = tpu.vector_load_idx %arg8[%add3A_337, %broadcast_in_dim3A_321] : memref<512x32xf32, #tpu.memory_space<vmem>>[vector<16xi32>, vector<16xi32>], vector<16xf32>,
      %abs3A_598 = math.absf %gather3A_597 : vector<16xf32>
      %add3A_599 = arith.addf %add3A_590, %abs3A_598 : vector<16xf32>
      %gather3A_600 = tpu.vector_load_idx %arg9[%add3A_337, %broadcast_in_dim3A_321] : memref<512x32xf32, #tpu.memory_space<vmem>>[vector<16xi32>, vector<16xi32>], vector<16xf32>,
      %abs3A_601 = math.absf %gather3A_600 : vector<16xf32>
      %add3A_602 = arith.addf %add3A_593, %abs3A_601 : vector<16xf32>
      %gather3A_603 = tpu.vector_load_idx %arg7[%add3A_337, %broadcast_in_dim3A_323] : memref<512x32xf32, #tpu.memory_space<vmem>>[vector<16xi32>, vector<16xi32>], vector<16xf32>,
      %abs3A_604 = math.absf %gather3A_603 : vector<16xf32>
      %add3A_605 = arith.addf %add3A_596, %abs3A_604 : vector<16xf32>
      %gather3A_606 = tpu.vector_load_idx %arg8[%add3A_337, %broadcast_in_dim3A_323] : memref<512x32xf32, #tpu.memory_space<vmem>>[vector<16xi32>, vector<16xi32>], vector<16xf32>,
      %abs3A_607 = math.absf %gather3A_606 : vector<16xf32>
      %add3A_608 = arith.addf %add3A_599, %abs3A_607 : vector<16xf32>
      %gather3A_609 = tpu.vector_load_idx %arg9[%add3A_337, %broadcast_in_dim3A_323] : memref<512x32xf32, #tpu.memory_space<vmem>>[vector<16xi32>, vector<16xi32>], vector<16xf32>,
      %abs3A_610 = math.absf %gather3A_609 : vector<16xf32>
      %add3A_611 = arith.addf %add3A_602, %abs3A_610 : vector<16xf32>
      %gather3A_612 = tpu.vector_load_idx %arg7[%add3A_337, %broadcast_in_dim3A_325] : memref<512x32xf32, #tpu.memory_space<vmem>>[vector<16xi32>, vector<16xi32>], vector<16xf32>,
      %abs3A_613 = math.absf %gather3A_612 : vector<16xf32>
      %add3A_614 = arith.addf %add3A_605, %abs3A_613 : vector<16xf32>
      %gather3A_615 = tpu.vector_load_idx %arg8[%add3A_337, %broadcast_in_dim3A_325] : memref<512x32xf32, #tpu.memory_space<vmem>>[vector<16xi32>, vector<16xi32>], vector<16xf32>,
      %abs3A_616 = math.absf %gather3A_615 : vector<16xf32>
      %add3A_617 = arith.addf %add3A_608, %abs3A_616 : vector<16xf32>
      %gather3A_618 = tpu.vector_load_idx %arg9[%add3A_337, %broadcast_in_dim3A_325] : memref<512x32xf32, #tpu.memory_space<vmem>>[vector<16xi32>, vector<16xi32>], vector<16xf32>,
      %abs3A_619 = math.absf %gather3A_618 : vector<16xf32>
      %add3A_620 = arith.addf %add3A_611, %abs3A_619 : vector<16xf32>
      %gather3A_621 = tpu.vector_load_idx %arg7[%add3A_337, %broadcast_in_dim3A_327] : memref<512x32xf32, #tpu.memory_space<vmem>>[vector<16xi32>, vector<16xi32>], vector<16xf32>,
      %abs3A_622 = math.absf %gather3A_621 : vector<16xf32>
      %add3A_623 = arith.addf %add3A_614, %abs3A_622 : vector<16xf32>
      %gather3A_624 = tpu.vector_load_idx %arg8[%add3A_337, %broadcast_in_dim3A_327] : memref<512x32xf32, #tpu.memory_space<vmem>>[vector<16xi32>, vector<16xi32>], vector<16xf32>,
      %abs3A_625 = math.absf %gather3A_624 : vector<16xf32>
      %add3A_626 = arith.addf %add3A_617, %abs3A_625 : vector<16xf32>
      %gather3A_627 = tpu.vector_load_idx %arg9[%add3A_337, %broadcast_in_dim3A_327] : memref<512x32xf32, #tpu.memory_space<vmem>>[vector<16xi32>, vector<16xi32>], vector<16xf32>,
      %abs3A_628 = math.absf %gather3A_627 : vector<16xf32>
      %add3A_629 = arith.addf %add3A_620, %abs3A_628 : vector<16xf32>
      %div3A = arith.constant 1.000000e+00 : f32
      %div3A_630 = vector.broadcast %div3A : f32 to vector<16xf32>
      %div3A_631 = arith.divf %div3A_630, %add3A_623 : vector<16xf32>
      %div3A_632 = arith.constant 1.000000e+00 : f32
      %div3A_633 = vector.broadcast %div3A_632 : f32 to vector<16xf32>
      %div3A_634 = arith.divf %div3A_633, %add3A_626 : vector<16xf32>
      %div3A_635 = arith.constant 1.000000e+00 : f32
      %div3A_636 = vector.broadcast %div3A_635 : f32 to vector<16xf32>
      %div3A_637 = arith.divf %div3A_636, %add3A_629 : vector<16xf32>
      %broadcast_in_dim3A_638 = arith.constant 0.000000e+00 : f32
      %broadcast_in_dim3A_639 = vector.broadcast %broadcast_in_dim3A_638 : f32 to vector<16xf32>
      %gather3A_640 = tpu.vector_load_idx %arg7[%add3A_337, %broadcast_in_dim3A_265] : memref<512x32xf32, #tpu.memory_space<vmem>>[vector<16xi32>, vector<16xi32>], vector<16xf32>,
      %gather3A_641 = tpu.vector_load_idx %arg8[%add3A_337, %broadcast_in_dim3A_265] : memref<512x32xf32, #tpu.memory_space<vmem>>[vector<16xi32>, vector<16xi32>], vector<16xf32>,
      %gather3A_642 = tpu.vector_load_idx %arg9[%add3A_337, %broadcast_in_dim3A_265] : memref<512x32xf32, #tpu.memory_space<vmem>>[vector<16xi32>, vector<16xi32>], vector<16xf32>,
      %mul3A_643 = arith.mulf %gather3A_640, %div3A_631 : vector<16xf32>
      %mul3A_644 = arith.mulf %gather3A_641, %div3A_634 : vector<16xf32>
      %add3A_645 = arith.addf %mul3A_643, %mul3A_644 : vector<16xf32>
      %mul3A_646 = arith.mulf %gather3A_642, %div3A_637 : vector<16xf32>
      %sub3A = arith.subf %add3A_645, %mul3A_646 : vector<16xf32>
      %abs3A_647 = math.absf %sub3A : vector<16xf32>
      %add3A_648 = arith.addf %broadcast_in_dim3A_639, %abs3A_647 : vector<16xf32>
      %gather3A_649 = tpu.vector_load_idx %arg7[%add3A_337, %broadcast_in_dim3A_267] : memref<512x32xf32, #tpu.memory_space<vmem>>[vector<16xi32>, vector<16xi32>], vector<16xf32>,
      %gather3A_650 = tpu.vector_load_idx %arg8[%add3A_337, %broadcast_in_dim3A_267] : memref<512x32xf32, #tpu.memory_space<vmem>>[vector<16xi32>, vector<16xi32>], vector<16xf32>,
      %gather3A_651 = tpu.vector_load_idx %arg9[%add3A_337, %broadcast_in_dim3A_267] : memref<512x32xf32, #tpu.memory_space<vmem>>[vector<16xi32>, vector<16xi32>], vector<16xf32>,
      %mul3A_652 = arith.mulf %gather3A_649, %div3A_631 : vector<16xf32>
      %mul3A_653 = arith.mulf %gather3A_650, %div3A_634 : vector<16xf32>
      %add3A_654 = arith.addf %mul3A_652, %mul3A_653 : vector<16xf32>
      %mul3A_655 = arith.mulf %gather3A_651, %div3A_637 : vector<16xf32>
      %sub3A_656 = arith.subf %add3A_654, %mul3A_655 : vector<16xf32>
      %abs3A_657 = math.absf %sub3A_656 : vector<16xf32>
      %add3A_658 = arith.addf %add3A_648, %abs3A_657 : vector<16xf32>
      %gather3A_659 = tpu.vector_load_idx %arg7[%add3A_337, %broadcast_in_dim3A_269] : memref<512x32xf32, #tpu.memory_space<vmem>>[vector<16xi32>, vector<16xi32>], vector<16xf32>,
      %gather3A_660 = tpu.vector_load_idx %arg8[%add3A_337, %broadcast_in_dim3A_269] : memref<512x32xf32, #tpu.memory_space<vmem>>[vector<16xi32>, vector<16xi32>], vector<16xf32>,
      %gather3A_661 = tpu.vector_load_idx %arg9[%add3A_337, %broadcast_in_dim3A_269] : memref<512x32xf32, #tpu.memory_space<vmem>>[vector<16xi32>, vector<16xi32>], vector<16xf32>,
      %mul3A_662 = arith.mulf %gather3A_659, %div3A_631 : vector<16xf32>
      %mul3A_663 = arith.mulf %gather3A_660, %div3A_634 : vector<16xf32>
      %add3A_664 = arith.addf %mul3A_662, %mul3A_663 : vector<16xf32>
      %mul3A_665 = arith.mulf %gather3A_661, %div3A_637 : vector<16xf32>
      %sub3A_666 = arith.subf %add3A_664, %mul3A_665 : vector<16xf32>
      %abs3A_667 = math.absf %sub3A_666 : vector<16xf32>
      %add3A_668 = arith.addf %add3A_658, %abs3A_667 : vector<16xf32>
      %gather3A_669 = tpu.vector_load_idx %arg7[%add3A_337, %broadcast_in_dim3A_271] : memref<512x32xf32, #tpu.memory_space<vmem>>[vector<16xi32>, vector<16xi32>], vector<16xf32>,
      %gather3A_670 = tpu.vector_load_idx %arg8[%add3A_337, %broadcast_in_dim3A_271] : memref<512x32xf32, #tpu.memory_space<vmem>>[vector<16xi32>, vector<16xi32>], vector<16xf32>,
      %gather3A_671 = tpu.vector_load_idx %arg9[%add3A_337, %broadcast_in_dim3A_271] : memref<512x32xf32, #tpu.memory_space<vmem>>[vector<16xi32>, vector<16xi32>], vector<16xf32>,
      %mul3A_672 = arith.mulf %gather3A_669, %div3A_631 : vector<16xf32>
      %mul3A_673 = arith.mulf %gather3A_670, %div3A_634 : vector<16xf32>
      %add3A_674 = arith.addf %mul3A_672, %mul3A_673 : vector<16xf32>
      %mul3A_675 = arith.mulf %gather3A_671, %div3A_637 : vector<16xf32>
      %sub3A_676 = arith.subf %add3A_674, %mul3A_675 : vector<16xf32>
      %abs3A_677 = math.absf %sub3A_676 : vector<16xf32>
      %add3A_678 = arith.addf %add3A_668, %abs3A_677 : vector<16xf32>
      %gather3A_679 = tpu.vector_load_idx %arg7[%add3A_337, %broadcast_in_dim3A_273] : memref<512x32xf32, #tpu.memory_space<vmem>>[vector<16xi32>, vector<16xi32>], vector<16xf32>,
      %gather3A_680 = tpu.vector_load_idx %arg8[%add3A_337, %broadcast_in_dim3A_273] : memref<512x32xf32, #tpu.memory_space<vmem>>[vector<16xi32>, vector<16xi32>], vector<16xf32>,
      %gather3A_681 = tpu.vector_load_idx %arg9[%add3A_337, %broadcast_in_dim3A_273] : memref<512x32xf32, #tpu.memory_space<vmem>>[vector<16xi32>, vector<16xi32>], vector<16xf32>,
      %mul3A_682 = arith.mulf %gather3A_679, %div3A_631 : vector<16xf32>
      %mul3A_683 = arith.mulf %gather3A_680, %div3A_634 : vector<16xf32>
      %add3A_684 = arith.addf %mul3A_682, %mul3A_683 : vector<16xf32>
      %mul3A_685 = arith.mulf %gather3A_681, %div3A_637 : vector<16xf32>
      %sub3A_686 = arith.subf %add3A_684, %mul3A_685 : vector<16xf32>
      %abs3A_687 = math.absf %sub3A_686 : vector<16xf32>
      %add3A_688 = arith.addf %add3A_678, %abs3A_687 : vector<16xf32>
      %gather3A_689 = tpu.vector_load_idx %arg7[%add3A_337, %broadcast_in_dim3A_275] : memref<512x32xf32, #tpu.memory_space<vmem>>[vector<16xi32>, vector<16xi32>], vector<16xf32>,
      %gather3A_690 = tpu.vector_load_idx %arg8[%add3A_337, %broadcast_in_dim3A_275] : memref<512x32xf32, #tpu.memory_space<vmem>>[vector<16xi32>, vector<16xi32>], vector<16xf32>,
      %gather3A_691 = tpu.vector_load_idx %arg9[%add3A_337, %broadcast_in_dim3A_275] : memref<512x32xf32, #tpu.memory_space<vmem>>[vector<16xi32>, vector<16xi32>], vector<16xf32>,
      %mul3A_692 = arith.mulf %gather3A_689, %div3A_631 : vector<16xf32>
      %mul3A_693 = arith.mulf %gather3A_690, %div3A_634 : vector<16xf32>
      %add3A_694 = arith.addf %mul3A_692, %mul3A_693 : vector<16xf32>
      %mul3A_695 = arith.mulf %gather3A_691, %div3A_637 : vector<16xf32>
      %sub3A_696 = arith.subf %add3A_694, %mul3A_695 : vector<16xf32>
      %abs3A_697 = math.absf %sub3A_696 : vector<16xf32>
      %add3A_698 = arith.addf %add3A_688, %abs3A_697 : vector<16xf32>
      %gather3A_699 = tpu.vector_load_idx %arg7[%add3A_337, %broadcast_in_dim3A_277] : memref<512x32xf32, #tpu.memory_space<vmem>>[vector<16xi32>, vector<16xi32>], vector<16xf32>,
      %gather3A_700 = tpu.vector_load_idx %arg8[%add3A_337, %broadcast_in_dim3A_277] : memref<512x32xf32, #tpu.memory_space<vmem>>[vector<16xi32>, vector<16xi32>], vector<16xf32>,
      %gather3A_701 = tpu.vector_load_idx %arg9[%add3A_337, %broadcast_in_dim3A_277] : memref<512x32xf32, #tpu.memory_space<vmem>>[vector<16xi32>, vector<16xi32>], vector<16xf32>,
      %mul3A_702 = arith.mulf %gather3A_699, %div3A_631 : vector<16xf32>
      %mul3A_703 = arith.mulf %gather3A_700, %div3A_634 : vector<16xf32>
      %add3A_704 = arith.addf %mul3A_702, %mul3A_703 : vector<16xf32>
      %mul3A_705 = arith.mulf %gather3A_701, %div3A_637 : vector<16xf32>
      %sub3A_706 = arith.subf %add3A_704, %mul3A_705 : vector<16xf32>
      %abs3A_707 = math.absf %sub3A_706 : vector<16xf32>
      %add3A_708 = arith.addf %add3A_698, %abs3A_707 : vector<16xf32>
      %gather3A_709 = tpu.vector_load_idx %arg7[%add3A_337, %broadcast_in_dim3A_279] : memref<512x32xf32, #tpu.memory_space<vmem>>[vector<16xi32>, vector<16xi32>], vector<16xf32>,
      %gather3A_710 = tpu.vector_load_idx %arg8[%add3A_337, %broadcast_in_dim3A_279] : memref<512x32xf32, #tpu.memory_space<vmem>>[vector<16xi32>, vector<16xi32>], vector<16xf32>,
      %gather3A_711 = tpu.vector_load_idx %arg9[%add3A_337, %broadcast_in_dim3A_279] : memref<512x32xf32, #tpu.memory_space<vmem>>[vector<16xi32>, vector<16xi32>], vector<16xf32>,
      %mul3A_712 = arith.mulf %gather3A_709, %div3A_631 : vector<16xf32>
      %mul3A_713 = arith.mulf %gather3A_710, %div3A_634 : vector<16xf32>
      %add3A_714 = arith.addf %mul3A_712, %mul3A_713 : vector<16xf32>
      %mul3A_715 = arith.mulf %gather3A_711, %div3A_637 : vector<16xf32>
      %sub3A_716 = arith.subf %add3A_714, %mul3A_715 : vector<16xf32>
      %abs3A_717 = math.absf %sub3A_716 : vector<16xf32>
      %add3A_718 = arith.addf %add3A_708, %abs3A_717 : vector<16xf32>
      %gather3A_719 = tpu.vector_load_idx %arg7[%add3A_337, %broadcast_in_dim3A_281] : memref<512x32xf32, #tpu.memory_space<vmem>>[vector<16xi32>, vector<16xi32>], vector<16xf32>,
      %gather3A_720 = tpu.vector_load_idx %arg8[%add3A_337, %broadcast_in_dim3A_281] : memref<512x32xf32, #tpu.memory_space<vmem>>[vector<16xi32>, vector<16xi32>], vector<16xf32>,
      %gather3A_721 = tpu.vector_load_idx %arg9[%add3A_337, %broadcast_in_dim3A_281] : memref<512x32xf32, #tpu.memory_space<vmem>>[vector<16xi32>, vector<16xi32>], vector<16xf32>,
      %mul3A_722 = arith.mulf %gather3A_719, %div3A_631 : vector<16xf32>
      %mul3A_723 = arith.mulf %gather3A_720, %div3A_634 : vector<16xf32>
      %add3A_724 = arith.addf %mul3A_722, %mul3A_723 : vector<16xf32>
      %mul3A_725 = arith.mulf %gather3A_721, %div3A_637 : vector<16xf32>
      %sub3A_726 = arith.subf %add3A_724, %mul3A_725 : vector<16xf32>
      %abs3A_727 = math.absf %sub3A_726 : vector<16xf32>
      %add3A_728 = arith.addf %add3A_718, %abs3A_727 : vector<16xf32>
      %gather3A_729 = tpu.vector_load_idx %arg7[%add3A_337, %broadcast_in_dim3A_283] : memref<512x32xf32, #tpu.memory_space<vmem>>[vector<16xi32>, vector<16xi32>], vector<16xf32>,
      %gather3A_730 = tpu.vector_load_idx %arg8[%add3A_337, %broadcast_in_dim3A_283] : memref<512x32xf32, #tpu.memory_space<vmem>>[vector<16xi32>, vector<16xi32>], vector<16xf32>,
      %gather3A_731 = tpu.vector_load_idx %arg9[%add3A_337, %broadcast_in_dim3A_283] : memref<512x32xf32, #tpu.memory_space<vmem>>[vector<16xi32>, vector<16xi32>], vector<16xf32>,
      %mul3A_732 = arith.mulf %gather3A_729, %div3A_631 : vector<16xf32>
      %mul3A_733 = arith.mulf %gather3A_730, %div3A_634 : vector<16xf32>
      %add3A_734 = arith.addf %mul3A_732, %mul3A_733 : vector<16xf32>
      %mul3A_735 = arith.mulf %gather3A_731, %div3A_637 : vector<16xf32>
      %sub3A_736 = arith.subf %add3A_734, %mul3A_735 : vector<16xf32>
      %abs3A_737 = math.absf %sub3A_736 : vector<16xf32>
      %add3A_738 = arith.addf %add3A_728, %abs3A_737 : vector<16xf32>
      %gather3A_739 = tpu.vector_load_idx %arg7[%add3A_337, %broadcast_in_dim3A_285] : memref<512x32xf32, #tpu.memory_space<vmem>>[vector<16xi32>, vector<16xi32>], vector<16xf32>,
      %gather3A_740 = tpu.vector_load_idx %arg8[%add3A_337, %broadcast_in_dim3A_285] : memref<512x32xf32, #tpu.memory_space<vmem>>[vector<16xi32>, vector<16xi32>], vector<16xf32>,
      %gather3A_741 = tpu.vector_load_idx %arg9[%add3A_337, %broadcast_in_dim3A_285] : memref<512x32xf32, #tpu.memory_space<vmem>>[vector<16xi32>, vector<16xi32>], vector<16xf32>,
      %mul3A_742 = arith.mulf %gather3A_739, %div3A_631 : vector<16xf32>
      %mul3A_743 = arith.mulf %gather3A_740, %div3A_634 : vector<16xf32>
      %add3A_744 = arith.addf %mul3A_742, %mul3A_743 : vector<16xf32>
      %mul3A_745 = arith.mulf %gather3A_741, %div3A_637 : vector<16xf32>
      %sub3A_746 = arith.subf %add3A_744, %mul3A_745 : vector<16xf32>
      %abs3A_747 = math.absf %sub3A_746 : vector<16xf32>
      %add3A_748 = arith.addf %add3A_738, %abs3A_747 : vector<16xf32>
      %gather3A_749 = tpu.vector_load_idx %arg7[%add3A_337, %broadcast_in_dim3A_287] : memref<512x32xf32, #tpu.memory_space<vmem>>[vector<16xi32>, vector<16xi32>], vector<16xf32>,
      %gather3A_750 = tpu.vector_load_idx %arg8[%add3A_337, %broadcast_in_dim3A_287] : memref<512x32xf32, #tpu.memory_space<vmem>>[vector<16xi32>, vector<16xi32>], vector<16xf32>,
      %gather3A_751 = tpu.vector_load_idx %arg9[%add3A_337, %broadcast_in_dim3A_287] : memref<512x32xf32, #tpu.memory_space<vmem>>[vector<16xi32>, vector<16xi32>], vector<16xf32>,
      %mul3A_752 = arith.mulf %gather3A_749, %div3A_631 : vector<16xf32>
      %mul3A_753 = arith.mulf %gather3A_750, %div3A_634 : vector<16xf32>
      %add3A_754 = arith.addf %mul3A_752, %mul3A_753 : vector<16xf32>
      %mul3A_755 = arith.mulf %gather3A_751, %div3A_637 : vector<16xf32>
      %sub3A_756 = arith.subf %add3A_754, %mul3A_755 : vector<16xf32>
      %abs3A_757 = math.absf %sub3A_756 : vector<16xf32>
      %add3A_758 = arith.addf %add3A_748, %abs3A_757 : vector<16xf32>
      %gather3A_759 = tpu.vector_load_idx %arg7[%add3A_337, %broadcast_in_dim3A_289] : memref<512x32xf32, #tpu.memory_space<vmem>>[vector<16xi32>, vector<16xi32>], vector<16xf32>,
      %gather3A_760 = tpu.vector_load_idx %arg8[%add3A_337, %broadcast_in_dim3A_289] : memref<512x32xf32, #tpu.memory_space<vmem>>[vector<16xi32>, vector<16xi32>], vector<16xf32>,
      %gather3A_761 = tpu.vector_load_idx %arg9[%add3A_337, %broadcast_in_dim3A_289] : memref<512x32xf32, #tpu.memory_space<vmem>>[vector<16xi32>, vector<16xi32>], vector<16xf32>,
      %mul3A_762 = arith.mulf %gather3A_759, %div3A_631 : vector<16xf32>
      %mul3A_763 = arith.mulf %gather3A_760, %div3A_634 : vector<16xf32>
      %add3A_764 = arith.addf %mul3A_762, %mul3A_763 : vector<16xf32>
      %mul3A_765 = arith.mulf %gather3A_761, %div3A_637 : vector<16xf32>
      %sub3A_766 = arith.subf %add3A_764, %mul3A_765 : vector<16xf32>
      %abs3A_767 = math.absf %sub3A_766 : vector<16xf32>
      %add3A_768 = arith.addf %add3A_758, %abs3A_767 : vector<16xf32>
      %gather3A_769 = tpu.vector_load_idx %arg7[%add3A_337, %broadcast_in_dim3A_291] : memref<512x32xf32, #tpu.memory_space<vmem>>[vector<16xi32>, vector<16xi32>], vector<16xf32>,
      %gather3A_770 = tpu.vector_load_idx %arg8[%add3A_337, %broadcast_in_dim3A_291] : memref<512x32xf32, #tpu.memory_space<vmem>>[vector<16xi32>, vector<16xi32>], vector<16xf32>,
      %gather3A_771 = tpu.vector_load_idx %arg9[%add3A_337, %broadcast_in_dim3A_291] : memref<512x32xf32, #tpu.memory_space<vmem>>[vector<16xi32>, vector<16xi32>], vector<16xf32>,
      %mul3A_772 = arith.mulf %gather3A_769, %div3A_631 : vector<16xf32>
      %mul3A_773 = arith.mulf %gather3A_770, %div3A_634 : vector<16xf32>
      %add3A_774 = arith.addf %mul3A_772, %mul3A_773 : vector<16xf32>
      %mul3A_775 = arith.mulf %gather3A_771, %div3A_637 : vector<16xf32>
      %sub3A_776 = arith.subf %add3A_774, %mul3A_775 : vector<16xf32>
      %abs3A_777 = math.absf %sub3A_776 : vector<16xf32>
      %add3A_778 = arith.addf %add3A_768, %abs3A_777 : vector<16xf32>
      %gather3A_779 = tpu.vector_load_idx %arg7[%add3A_337, %broadcast_in_dim3A_293] : memref<512x32xf32, #tpu.memory_space<vmem>>[vector<16xi32>, vector<16xi32>], vector<16xf32>,
      %gather3A_780 = tpu.vector_load_idx %arg8[%add3A_337, %broadcast_in_dim3A_293] : memref<512x32xf32, #tpu.memory_space<vmem>>[vector<16xi32>, vector<16xi32>], vector<16xf32>,
      %gather3A_781 = tpu.vector_load_idx %arg9[%add3A_337, %broadcast_in_dim3A_293] : memref<512x32xf32, #tpu.memory_space<vmem>>[vector<16xi32>, vector<16xi32>], vector<16xf32>,
      %mul3A_782 = arith.mulf %gather3A_779, %div3A_631 : vector<16xf32>
      %mul3A_783 = arith.mulf %gather3A_780, %div3A_634 : vector<16xf32>
      %add3A_784 = arith.addf %mul3A_782, %mul3A_783 : vector<16xf32>
      %mul3A_785 = arith.mulf %gather3A_781, %div3A_637 : vector<16xf32>
      %sub3A_786 = arith.subf %add3A_784, %mul3A_785 : vector<16xf32>
      %abs3A_787 = math.absf %sub3A_786 : vector<16xf32>
      %add3A_788 = arith.addf %add3A_778, %abs3A_787 : vector<16xf32>
      %gather3A_789 = tpu.vector_load_idx %arg7[%add3A_337, %broadcast_in_dim3A_295] : memref<512x32xf32, #tpu.memory_space<vmem>>[vector<16xi32>, vector<16xi32>], vector<16xf32>,
      %gather3A_790 = tpu.vector_load_idx %arg8[%add3A_337, %broadcast_in_dim3A_295] : memref<512x32xf32, #tpu.memory_space<vmem>>[vector<16xi32>, vector<16xi32>], vector<16xf32>,
      %gather3A_791 = tpu.vector_load_idx %arg9[%add3A_337, %broadcast_in_dim3A_295] : memref<512x32xf32, #tpu.memory_space<vmem>>[vector<16xi32>, vector<16xi32>], vector<16xf32>,
      %mul3A_792 = arith.mulf %gather3A_789, %div3A_631 : vector<16xf32>
      %mul3A_793 = arith.mulf %gather3A_790, %div3A_634 : vector<16xf32>
      %add3A_794 = arith.addf %mul3A_792, %mul3A_793 : vector<16xf32>
      %mul3A_795 = arith.mulf %gather3A_791, %div3A_637 : vector<16xf32>
      %sub3A_796 = arith.subf %add3A_794, %mul3A_795 : vector<16xf32>
      %abs3A_797 = math.absf %sub3A_796 : vector<16xf32>
      %add3A_798 = arith.addf %add3A_788, %abs3A_797 : vector<16xf32>
      %gather3A_799 = tpu.vector_load_idx %arg7[%add3A_337, %broadcast_in_dim3A_297] : memref<512x32xf32, #tpu.memory_space<vmem>>[vector<16xi32>, vector<16xi32>], vector<16xf32>,
      %gather3A_800 = tpu.vector_load_idx %arg8[%add3A_337, %broadcast_in_dim3A_297] : memref<512x32xf32, #tpu.memory_space<vmem>>[vector<16xi32>, vector<16xi32>], vector<16xf32>,
      %gather3A_801 = tpu.vector_load_idx %arg9[%add3A_337, %broadcast_in_dim3A_297] : memref<512x32xf32, #tpu.memory_space<vmem>>[vector<16xi32>, vector<16xi32>], vector<16xf32>,
      %mul3A_802 = arith.mulf %gather3A_799, %div3A_631 : vector<16xf32>
      %mul3A_803 = arith.mulf %gather3A_800, %div3A_634 : vector<16xf32>
      %add3A_804 = arith.addf %mul3A_802, %mul3A_803 : vector<16xf32>
      %mul3A_805 = arith.mulf %gather3A_801, %div3A_637 : vector<16xf32>
      %sub3A_806 = arith.subf %add3A_804, %mul3A_805 : vector<16xf32>
      %abs3A_807 = math.absf %sub3A_806 : vector<16xf32>
      %add3A_808 = arith.addf %add3A_798, %abs3A_807 : vector<16xf32>
      %gather3A_809 = tpu.vector_load_idx %arg7[%add3A_337, %broadcast_in_dim3A_299] : memref<512x32xf32, #tpu.memory_space<vmem>>[vector<16xi32>, vector<16xi32>], vector<16xf32>,
      %gather3A_810 = tpu.vector_load_idx %arg8[%add3A_337, %broadcast_in_dim3A_299] : memref<512x32xf32, #tpu.memory_space<vmem>>[vector<16xi32>, vector<16xi32>], vector<16xf32>,
      %gather3A_811 = tpu.vector_load_idx %arg9[%add3A_337, %broadcast_in_dim3A_299] : memref<512x32xf32, #tpu.memory_space<vmem>>[vector<16xi32>, vector<16xi32>], vector<16xf32>,
      %mul3A_812 = arith.mulf %gather3A_809, %div3A_631 : vector<16xf32>
      %mul3A_813 = arith.mulf %gather3A_810, %div3A_634 : vector<16xf32>
      %add3A_814 = arith.addf %mul3A_812, %mul3A_813 : vector<16xf32>
      %mul3A_815 = arith.mulf %gather3A_811, %div3A_637 : vector<16xf32>
      %sub3A_816 = arith.subf %add3A_814, %mul3A_815 : vector<16xf32>
      %abs3A_817 = math.absf %sub3A_816 : vector<16xf32>
      %add3A_818 = arith.addf %add3A_808, %abs3A_817 : vector<16xf32>
      %gather3A_819 = tpu.vector_load_idx %arg7[%add3A_337, %broadcast_in_dim3A_301] : memref<512x32xf32, #tpu.memory_space<vmem>>[vector<16xi32>, vector<16xi32>], vector<16xf32>,
      %gather3A_820 = tpu.vector_load_idx %arg8[%add3A_337, %broadcast_in_dim3A_301] : memref<512x32xf32, #tpu.memory_space<vmem>>[vector<16xi32>, vector<16xi32>], vector<16xf32>,
      %gather3A_821 = tpu.vector_load_idx %arg9[%add3A_337, %broadcast_in_dim3A_301] : memref<512x32xf32, #tpu.memory_space<vmem>>[vector<16xi32>, vector<16xi32>], vector<16xf32>,
      %mul3A_822 = arith.mulf %gather3A_819, %div3A_631 : vector<16xf32>
      %mul3A_823 = arith.mulf %gather3A_820, %div3A_634 : vector<16xf32>
      %add3A_824 = arith.addf %mul3A_822, %mul3A_823 : vector<16xf32>
      %mul3A_825 = arith.mulf %gather3A_821, %div3A_637 : vector<16xf32>
      %sub3A_826 = arith.subf %add3A_824, %mul3A_825 : vector<16xf32>
      %abs3A_827 = math.absf %sub3A_826 : vector<16xf32>
      %add3A_828 = arith.addf %add3A_818, %abs3A_827 : vector<16xf32>
      %gather3A_829 = tpu.vector_load_idx %arg7[%add3A_337, %broadcast_in_dim3A_303] : memref<512x32xf32, #tpu.memory_space<vmem>>[vector<16xi32>, vector<16xi32>], vector<16xf32>,
      %gather3A_830 = tpu.vector_load_idx %arg8[%add3A_337, %broadcast_in_dim3A_303] : memref<512x32xf32, #tpu.memory_space<vmem>>[vector<16xi32>, vector<16xi32>], vector<16xf32>,
      %gather3A_831 = tpu.vector_load_idx %arg9[%add3A_337, %broadcast_in_dim3A_303] : memref<512x32xf32, #tpu.memory_space<vmem>>[vector<16xi32>, vector<16xi32>], vector<16xf32>,
      %mul3A_832 = arith.mulf %gather3A_829, %div3A_631 : vector<16xf32>
      %mul3A_833 = arith.mulf %gather3A_830, %div3A_634 : vector<16xf32>
      %add3A_834 = arith.addf %mul3A_832, %mul3A_833 : vector<16xf32>
      %mul3A_835 = arith.mulf %gather3A_831, %div3A_637 : vector<16xf32>
      %sub3A_836 = arith.subf %add3A_834, %mul3A_835 : vector<16xf32>
      %abs3A_837 = math.absf %sub3A_836 : vector<16xf32>
      %add3A_838 = arith.addf %add3A_828, %abs3A_837 : vector<16xf32>
      %gather3A_839 = tpu.vector_load_idx %arg7[%add3A_337, %broadcast_in_dim3A_305] : memref<512x32xf32, #tpu.memory_space<vmem>>[vector<16xi32>, vector<16xi32>], vector<16xf32>,
      %gather3A_840 = tpu.vector_load_idx %arg8[%add3A_337, %broadcast_in_dim3A_305] : memref<512x32xf32, #tpu.memory_space<vmem>>[vector<16xi32>, vector<16xi32>], vector<16xf32>,
      %gather3A_841 = tpu.vector_load_idx %arg9[%add3A_337, %broadcast_in_dim3A_305] : memref<512x32xf32, #tpu.memory_space<vmem>>[vector<16xi32>, vector<16xi32>], vector<16xf32>,
      %mul3A_842 = arith.mulf %gather3A_839, %div3A_631 : vector<16xf32>
      %mul3A_843 = arith.mulf %gather3A_840, %div3A_634 : vector<16xf32>
      %add3A_844 = arith.addf %mul3A_842, %mul3A_843 : vector<16xf32>
      %mul3A_845 = arith.mulf %gather3A_841, %div3A_637 : vector<16xf32>
      %sub3A_846 = arith.subf %add3A_844, %mul3A_845 : vector<16xf32>
      %abs3A_847 = math.absf %sub3A_846 : vector<16xf32>
      %add3A_848 = arith.addf %add3A_838, %abs3A_847 : vector<16xf32>
      %gather3A_849 = tpu.vector_load_idx %arg7[%add3A_337, %broadcast_in_dim3A_307] : memref<512x32xf32, #tpu.memory_space<vmem>>[vector<16xi32>, vector<16xi32>], vector<16xf32>,
      %gather3A_850 = tpu.vector_load_idx %arg8[%add3A_337, %broadcast_in_dim3A_307] : memref<512x32xf32, #tpu.memory_space<vmem>>[vector<16xi32>, vector<16xi32>], vector<16xf32>,
      %gather3A_851 = tpu.vector_load_idx %arg9[%add3A_337, %broadcast_in_dim3A_307] : memref<512x32xf32, #tpu.memory_space<vmem>>[vector<16xi32>, vector<16xi32>], vector<16xf32>,
      %mul3A_852 = arith.mulf %gather3A_849, %div3A_631 : vector<16xf32>
      %mul3A_853 = arith.mulf %gather3A_850, %div3A_634 : vector<16xf32>
      %add3A_854 = arith.addf %mul3A_852, %mul3A_853 : vector<16xf32>
      %mul3A_855 = arith.mulf %gather3A_851, %div3A_637 : vector<16xf32>
      %sub3A_856 = arith.subf %add3A_854, %mul3A_855 : vector<16xf32>
      %abs3A_857 = math.absf %sub3A_856 : vector<16xf32>
      %add3A_858 = arith.addf %add3A_848, %abs3A_857 : vector<16xf32>
      %gather3A_859 = tpu.vector_load_idx %arg7[%add3A_337, %broadcast_in_dim3A_309] : memref<512x32xf32, #tpu.memory_space<vmem>>[vector<16xi32>, vector<16xi32>], vector<16xf32>,
      %gather3A_860 = tpu.vector_load_idx %arg8[%add3A_337, %broadcast_in_dim3A_309] : memref<512x32xf32, #tpu.memory_space<vmem>>[vector<16xi32>, vector<16xi32>], vector<16xf32>,
      %gather3A_861 = tpu.vector_load_idx %arg9[%add3A_337, %broadcast_in_dim3A_309] : memref<512x32xf32, #tpu.memory_space<vmem>>[vector<16xi32>, vector<16xi32>], vector<16xf32>,
      %mul3A_862 = arith.mulf %gather3A_859, %div3A_631 : vector<16xf32>
      %mul3A_863 = arith.mulf %gather3A_860, %div3A_634 : vector<16xf32>
      %add3A_864 = arith.addf %mul3A_862, %mul3A_863 : vector<16xf32>
      %mul3A_865 = arith.mulf %gather3A_861, %div3A_637 : vector<16xf32>
      %sub3A_866 = arith.subf %add3A_864, %mul3A_865 : vector<16xf32>
      %abs3A_867 = math.absf %sub3A_866 : vector<16xf32>
      %add3A_868 = arith.addf %add3A_858, %abs3A_867 : vector<16xf32>
      %gather3A_869 = tpu.vector_load_idx %arg7[%add3A_337, %broadcast_in_dim3A_311] : memref<512x32xf32, #tpu.memory_space<vmem>>[vector<16xi32>, vector<16xi32>], vector<16xf32>,
      %gather3A_870 = tpu.vector_load_idx %arg8[%add3A_337, %broadcast_in_dim3A_311] : memref<512x32xf32, #tpu.memory_space<vmem>>[vector<16xi32>, vector<16xi32>], vector<16xf32>,
      %gather3A_871 = tpu.vector_load_idx %arg9[%add3A_337, %broadcast_in_dim3A_311] : memref<512x32xf32, #tpu.memory_space<vmem>>[vector<16xi32>, vector<16xi32>], vector<16xf32>,
      %mul3A_872 = arith.mulf %gather3A_869, %div3A_631 : vector<16xf32>
      %mul3A_873 = arith.mulf %gather3A_870, %div3A_634 : vector<16xf32>
      %add3A_874 = arith.addf %mul3A_872, %mul3A_873 : vector<16xf32>
      %mul3A_875 = arith.mulf %gather3A_871, %div3A_637 : vector<16xf32>
      %sub3A_876 = arith.subf %add3A_874, %mul3A_875 : vector<16xf32>
      %abs3A_877 = math.absf %sub3A_876 : vector<16xf32>
      %add3A_878 = arith.addf %add3A_868, %abs3A_877 : vector<16xf32>
      %gather3A_879 = tpu.vector_load_idx %arg7[%add3A_337, %broadcast_in_dim3A_313] : memref<512x32xf32, #tpu.memory_space<vmem>>[vector<16xi32>, vector<16xi32>], vector<16xf32>,
      %gather3A_880 = tpu.vector_load_idx %arg8[%add3A_337, %broadcast_in_dim3A_313] : memref<512x32xf32, #tpu.memory_space<vmem>>[vector<16xi32>, vector<16xi32>], vector<16xf32>,
      %gather3A_881 = tpu.vector_load_idx %arg9[%add3A_337, %broadcast_in_dim3A_313] : memref<512x32xf32, #tpu.memory_space<vmem>>[vector<16xi32>, vector<16xi32>], vector<16xf32>,
      %mul3A_882 = arith.mulf %gather3A_879, %div3A_631 : vector<16xf32>
      %mul3A_883 = arith.mulf %gather3A_880, %div3A_634 : vector<16xf32>
      %add3A_884 = arith.addf %mul3A_882, %mul3A_883 : vector<16xf32>
      %mul3A_885 = arith.mulf %gather3A_881, %div3A_637 : vector<16xf32>
      %sub3A_886 = arith.subf %add3A_884, %mul3A_885 : vector<16xf32>
      %abs3A_887 = math.absf %sub3A_886 : vector<16xf32>
      %add3A_888 = arith.addf %add3A_878, %abs3A_887 : vector<16xf32>
      %gather3A_889 = tpu.vector_load_idx %arg7[%add3A_337, %broadcast_in_dim3A_315] : memref<512x32xf32, #tpu.memory_space<vmem>>[vector<16xi32>, vector<16xi32>], vector<16xf32>,
      %gather3A_890 = tpu.vector_load_idx %arg8[%add3A_337, %broadcast_in_dim3A_315] : memref<512x32xf32, #tpu.memory_space<vmem>>[vector<16xi32>, vector<16xi32>], vector<16xf32>,
      %gather3A_891 = tpu.vector_load_idx %arg9[%add3A_337, %broadcast_in_dim3A_315] : memref<512x32xf32, #tpu.memory_space<vmem>>[vector<16xi32>, vector<16xi32>], vector<16xf32>,
      %mul3A_892 = arith.mulf %gather3A_889, %div3A_631 : vector<16xf32>
      %mul3A_893 = arith.mulf %gather3A_890, %div3A_634 : vector<16xf32>
      %add3A_894 = arith.addf %mul3A_892, %mul3A_893 : vector<16xf32>
      %mul3A_895 = arith.mulf %gather3A_891, %div3A_637 : vector<16xf32>
      %sub3A_896 = arith.subf %add3A_894, %mul3A_895 : vector<16xf32>
      %abs3A_897 = math.absf %sub3A_896 : vector<16xf32>
      %add3A_898 = arith.addf %add3A_888, %abs3A_897 : vector<16xf32>
      %gather3A_899 = tpu.vector_load_idx %arg7[%add3A_337, %broadcast_in_dim3A_317] : memref<512x32xf32, #tpu.memory_space<vmem>>[vector<16xi32>, vector<16xi32>], vector<16xf32>,
      %gather3A_900 = tpu.vector_load_idx %arg8[%add3A_337, %broadcast_in_dim3A_317] : memref<512x32xf32, #tpu.memory_space<vmem>>[vector<16xi32>, vector<16xi32>], vector<16xf32>,
      %gather3A_901 = tpu.vector_load_idx %arg9[%add3A_337, %broadcast_in_dim3A_317] : memref<512x32xf32, #tpu.memory_space<vmem>>[vector<16xi32>, vector<16xi32>], vector<16xf32>,
      %mul3A_902 = arith.mulf %gather3A_899, %div3A_631 : vector<16xf32>
      %mul3A_903 = arith.mulf %gather3A_900, %div3A_634 : vector<16xf32>
      %add3A_904 = arith.addf %mul3A_902, %mul3A_903 : vector<16xf32>
      %mul3A_905 = arith.mulf %gather3A_901, %div3A_637 : vector<16xf32>
      %sub3A_906 = arith.subf %add3A_904, %mul3A_905 : vector<16xf32>
      %abs3A_907 = math.absf %sub3A_906 : vector<16xf32>
      %add3A_908 = arith.addf %add3A_898, %abs3A_907 : vector<16xf32>
      %gather3A_909 = tpu.vector_load_idx %arg7[%add3A_337, %broadcast_in_dim3A_319] : memref<512x32xf32, #tpu.memory_space<vmem>>[vector<16xi32>, vector<16xi32>], vector<16xf32>,
      %gather3A_910 = tpu.vector_load_idx %arg8[%add3A_337, %broadcast_in_dim3A_319] : memref<512x32xf32, #tpu.memory_space<vmem>>[vector<16xi32>, vector<16xi32>], vector<16xf32>,
      %gather3A_911 = tpu.vector_load_idx %arg9[%add3A_337, %broadcast_in_dim3A_319] : memref<512x32xf32, #tpu.memory_space<vmem>>[vector<16xi32>, vector<16xi32>], vector<16xf32>,
      %mul3A_912 = arith.mulf %gather3A_909, %div3A_631 : vector<16xf32>
      %mul3A_913 = arith.mulf %gather3A_910, %div3A_634 : vector<16xf32>
      %add3A_914 = arith.addf %mul3A_912, %mul3A_913 : vector<16xf32>
      %mul3A_915 = arith.mulf %gather3A_911, %div3A_637 : vector<16xf32>
      %sub3A_916 = arith.subf %add3A_914, %mul3A_915 : vector<16xf32>
      %abs3A_917 = math.absf %sub3A_916 : vector<16xf32>
      %add3A_918 = arith.addf %add3A_908, %abs3A_917 : vector<16xf32>
      %gather3A_919 = tpu.vector_load_idx %arg7[%add3A_337, %broadcast_in_dim3A_321] : memref<512x32xf32, #tpu.memory_space<vmem>>[vector<16xi32>, vector<16xi32>], vector<16xf32>,
      %gather3A_920 = tpu.vector_load_idx %arg8[%add3A_337, %broadcast_in_dim3A_321] : memref<512x32xf32, #tpu.memory_space<vmem>>[vector<16xi32>, vector<16xi32>], vector<16xf32>,
      %gather3A_921 = tpu.vector_load_idx %arg9[%add3A_337, %broadcast_in_dim3A_321] : memref<512x32xf32, #tpu.memory_space<vmem>>[vector<16xi32>, vector<16xi32>], vector<16xf32>,
      %mul3A_922 = arith.mulf %gather3A_919, %div3A_631 : vector<16xf32>
      %mul3A_923 = arith.mulf %gather3A_920, %div3A_634 : vector<16xf32>
      %add3A_924 = arith.addf %mul3A_922, %mul3A_923 : vector<16xf32>
      %mul3A_925 = arith.mulf %gather3A_921, %div3A_637 : vector<16xf32>
      %sub3A_926 = arith.subf %add3A_924, %mul3A_925 : vector<16xf32>
      %abs3A_927 = math.absf %sub3A_926 : vector<16xf32>
      %add3A_928 = arith.addf %add3A_918, %abs3A_927 : vector<16xf32>
      %gather3A_929 = tpu.vector_load_idx %arg7[%add3A_337, %broadcast_in_dim3A_323] : memref<512x32xf32, #tpu.memory_space<vmem>>[vector<16xi32>, vector<16xi32>], vector<16xf32>,
      %gather3A_930 = tpu.vector_load_idx %arg8[%add3A_337, %broadcast_in_dim3A_323] : memref<512x32xf32, #tpu.memory_space<vmem>>[vector<16xi32>, vector<16xi32>], vector<16xf32>,
      %gather3A_931 = tpu.vector_load_idx %arg9[%add3A_337, %broadcast_in_dim3A_323] : memref<512x32xf32, #tpu.memory_space<vmem>>[vector<16xi32>, vector<16xi32>], vector<16xf32>,
      %mul3A_932 = arith.mulf %gather3A_929, %div3A_631 : vector<16xf32>
      %mul3A_933 = arith.mulf %gather3A_930, %div3A_634 : vector<16xf32>
      %add3A_934 = arith.addf %mul3A_932, %mul3A_933 : vector<16xf32>
      %mul3A_935 = arith.mulf %gather3A_931, %div3A_637 : vector<16xf32>
      %sub3A_936 = arith.subf %add3A_934, %mul3A_935 : vector<16xf32>
      %abs3A_937 = math.absf %sub3A_936 : vector<16xf32>
      %add3A_938 = arith.addf %add3A_928, %abs3A_937 : vector<16xf32>
      %gather3A_939 = tpu.vector_load_idx %arg7[%add3A_337, %broadcast_in_dim3A_325] : memref<512x32xf32, #tpu.memory_space<vmem>>[vector<16xi32>, vector<16xi32>], vector<16xf32>,
      %gather3A_940 = tpu.vector_load_idx %arg8[%add3A_337, %broadcast_in_dim3A_325] : memref<512x32xf32, #tpu.memory_space<vmem>>[vector<16xi32>, vector<16xi32>], vector<16xf32>,
      %gather3A_941 = tpu.vector_load_idx %arg9[%add3A_337, %broadcast_in_dim3A_325] : memref<512x32xf32, #tpu.memory_space<vmem>>[vector<16xi32>, vector<16xi32>], vector<16xf32>,
      %mul3A_942 = arith.mulf %gather3A_939, %div3A_631 : vector<16xf32>
      %mul3A_943 = arith.mulf %gather3A_940, %div3A_634 : vector<16xf32>
      %add3A_944 = arith.addf %mul3A_942, %mul3A_943 : vector<16xf32>
      %mul3A_945 = arith.mulf %gather3A_941, %div3A_637 : vector<16xf32>
      %sub3A_946 = arith.subf %add3A_944, %mul3A_945 : vector<16xf32>
      %abs3A_947 = math.absf %sub3A_946 : vector<16xf32>
      %add3A_948 = arith.addf %add3A_938, %abs3A_947 : vector<16xf32>
      %gather3A_949 = tpu.vector_load_idx %arg7[%add3A_337, %broadcast_in_dim3A_327] : memref<512x32xf32, #tpu.memory_space<vmem>>[vector<16xi32>, vector<16xi32>], vector<16xf32>,
      %gather3A_950 = tpu.vector_load_idx %arg8[%add3A_337, %broadcast_in_dim3A_327] : memref<512x32xf32, #tpu.memory_space<vmem>>[vector<16xi32>, vector<16xi32>], vector<16xf32>,
      %gather3A_951 = tpu.vector_load_idx %arg9[%add3A_337, %broadcast_in_dim3A_327] : memref<512x32xf32, #tpu.memory_space<vmem>>[vector<16xi32>, vector<16xi32>], vector<16xf32>,
      %mul3A_952 = arith.mulf %gather3A_949, %div3A_631 : vector<16xf32>
      %mul3A_953 = arith.mulf %gather3A_950, %div3A_634 : vector<16xf32>
      %add3A_954 = arith.addf %mul3A_952, %mul3A_953 : vector<16xf32>
      %mul3A_955 = arith.mulf %gather3A_951, %div3A_637 : vector<16xf32>
      %sub3A_956 = arith.subf %add3A_954, %mul3A_955 : vector<16xf32>
      %abs3A_957 = math.absf %sub3A_956 : vector<16xf32>
      %add3A_958 = arith.addf %add3A_948, %abs3A_957 : vector<16xf32>
      %mul3A_959 = arith.constant 16 : i32
      %mul3A_960 = arith.muli %scan3A_333, %mul3A_959 : i32
      %swap3A = arith.index_cast %mul3A_960 : i32 to index
      %swap3A_961 = tpu.vector_load %arg10[%swap3A] {strides = array<i32>} : memref<512xf32, #tpu.memory_space<vmem>>, vector<16xf32>,
      tpu.vector_store %arg10[%swap3A], %add3A_958 {strides = array<i32>} : memref<512xf32, #tpu.memory_space<vmem>>, vector<16xf32>,
    }
    %scan3A_332 = arith.constant 32 : i32
    "tpu.region"() ({
      %run_scoped3A = tpu.sem_alloc : memref<!tpu.dma_semaphore, #tpu.memory_space<semaphore_mem>>
      %dma_start3A_333 = tpu.memref_slice %arg5[%mul3A_2] : memref<16384xf32, #tpu.memory_space<hbm>> -> memref<512xf32, #tpu.memory_space<hbm>>
      %dma_start3A_334 = tpu.memref_slice %arg5[%mul3A_2] : memref<16384xf32, #tpu.memory_space<hbm>> -> memref<512xf32, #tpu.memory_space<hbm>>
      tpu.enqueue_dma source(%arg10 : memref<512xf32, #tpu.memory_space<vmem>>) target(%dma_start3A_334 : memref<512xf32, #tpu.memory_space<hbm>>) target_semaphore(%run_scoped3A : memref<!tpu.dma_semaphore, #tpu.memory_space<semaphore_mem>>)
      %dma_wait3A_335 = tpu.memref_slice %arg5[%mul3A_2] : memref<16384xf32, #tpu.memory_space<hbm>> -> memref<512xf32, #tpu.memory_space<hbm>>
      %dma_wait3A_336 = tpu.memref_slice %arg5[%mul3A_2] : memref<16384xf32, #tpu.memory_space<hbm>> -> memref<512xf32, #tpu.memory_space<hbm>>
      tpu.wait_dma2 semaphore(%run_scoped3A : memref<!tpu.dma_semaphore, #tpu.memory_space<semaphore_mem>>) src(%arg10 : memref<512xf32, #tpu.memory_space<vmem>>) dst(%dma_wait3A_336 : memref<512xf32, #tpu.memory_space<hbm>>)
      tpu.yield
    }) : () -> ()
    return
  }
}

</mosaic_0001>

<sc_bundles>
// kernel: kernel.3.cloned.1.call-start
scs
__scs_entry_jumppad:
0x0: {  	(pc) =	sbr.rel $0x88, $3  }
0x1: {  	(tag) =	ssettag $0x0;
	lr =	simm.s32 $0x1  }
0x2: {  	[smem:$0x3F9E] =	sst lr;
	_ =	strace $0xD0000000  }
0x3: {  	_ = 	snop  }
0x4: {  	_ = 	snop  }
0x5: {  	_ = 	snop  }
0x6: {  	_ = 	snop  }
0x7: {  	_ = 	snop  }
__scs_overlays_trampoline_lowered:
0x8: {  	[smem:$0x3FAD] =	sst s0  }
0x9: {  	[smem:$0x3FAE] =	sst s1  }
0xa: {  	[smem:$0x3FAF] =	sst s2  }
0xb: {  	[smem:$0x3FB0] =	sst s3  }
0xc: {  	[smem:$0x3FB1] =	sst s4  }
0xd: {  	[smem:$0x3FB2] =	sst s5  }
0xe: {  	[smem:$0x3FB3] =	sst s6  }
0xf: {  	[smem:$0x3FB4] =	sst s7  }
0x10: {  	[smem:$0x3FB5] =	sst s8  }
0x11: {  	[smem:$0x3FB6] =	sst s9;
	s0 =	simm.s32 @!p0 $0x0  }
0x12: {  	s1 =	sld [smem:$0x3F9C];
	s0 =	simm.s32 @p0 $0x1  }
0x13: {  	[smem:$0x3FB7] =	sst s0;
	s0 =	simm.s32 @!p1 $0x0  }
0x14: {  	s2 =	sld [smem:$0x3F9B];
	s0 =	simm.s32 @p1 $0x1  }
0x15: {  	[smem:$0x3FB8] =	sst s0;
	s0 =	simm.s32 @!p2 $0x0  }
0x16: {  	s3 =	sld [smem:$0x3FDB];
	s0 =	simm.s32 @p2 $0x1  }
0x17: {  	s4 =	simm.s32 $0x1BF5;
	[smem:$0x3FBA] =	sst s0  }
0x18: {  	s0 =	sld [smem:$0x3F9D];
	_ =	swait.ge [sflag:s4], $0x0  }
0x19: {  	s7 =	sld [smem:$0x3F9E]  }
0x1a: {  	s8 =	sadd.s32 $0xFFFFE003, lr  }
0x1b: {  	s9 =	sadd.s32 $0xFFFFFEF7, lr;
	s5 =	simm.s32 $0xFFFFFFFF;
	p2 =	slt.u32 s8, $0xFFFFF086  }
0x1c: {  	p1 =	slt.u32 s9, $0xF7A;
	s5 =	simm.s32 @!p2 $0x0  }
0x1d: {  	s5 =	simm.s32 @p1 $0x1;
	p0 =	seq.s32 s7, s2  }
0x1e: {  	s7 =	smul.u32 @!p0 $0xF7A, s2;
	p2 =	seq.s32 @!p0 s5, $0x0  }
0x1f: {  	s9 =	smul.u32 $0xF7A, s1;
	s8 =	simm.s32 @!p0 $0x1BF5;
	p2 =	por !p2, p0  }
0x20: {  	[sflag:s8] =	ssyncset.s32 @!p0 $0xFFFFF086;
	s6 =	sadd.s32 @!p0 s3, s7;
	s7 =	simm.s32 @!p0 $0x108  }
0x21: {  	s3 =	sadd.s32 s3, s9;
	s6 =	sadd.s32 @!p0 $0x88, s6;
	s7 =	simm.s32 @p2 $0x1082  }
0x22: {  	[simem:s7], [sflag:s8] =	dma.local @!p0 [hbm:s6], $0xF7A  }
0x23: {  	s9 =	sor.u32 $0xD0000000, s2;
	s6 =	simm.s32 $0x108;
	_ =	swait.ge @!p0 [sflag:s8], $0x0  }
0x24: {  	s3 =	sadd.s32 $0x88, s3;
	s6 =	simm.s32 @!p1 $0x1082;
	[sflag:s4] =	ssyncset.s32 $0xFFFFF086  }
0x25: {  	[simem:s6], [sflag:s4] =	dma.local [hbm:s3], $0xF7A  }
0x26: {  	[smem:$0x3F9E] =	sst s1;
	(tag) =	ssettag s2;
	_ =	strace s9  }
0x27: {  	s1 =	sld [smem:$0x3FAE]  }
0x28: {  	s2 =	sld [smem:$0x3FAF]  }
0x29: {  	s4 =	sld [smem:$0x3FB1]  }
0x2a: {  	p0 =	seq.s32 s5, $0x0;
	s5 =	sld [smem:$0x3FB2]  }
0x2b: {  	s6 =	sld [smem:$0x3FB3]  }
0x2c: {  	s7 =	sld [smem:$0x3FB4]  }
0x2d: {  	s3 =	simm.s32 $0x108;
	s8 =	sld [smem:$0x3FB5]  }
0x2e: {  	s3 =	simm.s32 @!p0 $0x1082;
	s9 =	sld [smem:$0x3FB6]  }
0x2f: {  	lr =	sadd.s32 s0, s3;
	s0 =	sld [smem:$0x3FAD]  }
0x30: {  	s3 =	sld [smem:$0x3FB0]  }
0x31: {  	[smem:$0x3FB9] =	sst s10  }
0x32: {  	s10 =	sld [smem:$0x3FB7];
	_ =	sdelay $0x3  }
0x33: {  	p0 =	seq.s32 s10, $0x1;
	s10 =	sld [smem:$0x3FB9];
	_ =	sdelay $0x3  }
0x34: {  	[smem:$0x3FB9] =	sst s10  }
0x35: {  	s10 =	sld [smem:$0x3FB8];
	_ =	sdelay $0x3  }
0x36: {  	p1 =	seq.s32 s10, $0x1;
	s10 =	sld [smem:$0x3FB9];
	_ =	sdelay $0x3  }
0x37: {  	[smem:$0x3FB9] =	sst s10  }
0x38: {  	s10 =	sld [smem:$0x3FBA]  }
0x39: {  	_ = 	snop;
	(pc) =	sbr.ind lr, $3  }
0x3a: {  	_ = 	snop  }
0x3b: {  	_ = 	snop  }
0x3c: {  	p2 =	seq.s32 s10, $0x1;
	s10 =	sld [smem:$0x3FB9]  }
0x3d: {  	_ =	shalt  }
0x3e: {  	_ =	shalt  }
0x3f: {  	_ =	shalt  }
0x40: {  	_ =	shalt  }
0x41: {  	_ =	shalt  }
0x42: {  	_ =	shalt  }
0x43: {  	_ =	shalt  }
0x44: {  	_ =	shalt  }
0x45: {  	_ =	shalt  }
0x46: {  	_ =	shalt  }
0x47: {  	_ =	shalt  }
0x48: {  	_ =	shalt  }
0x49: {  	_ =	shalt  }
0x4a: {  	_ =	shalt  }
0x4b: {  	_ =	shalt  }
0x4c: {  	_ =	shalt  }
0x4d: {  	_ =	shalt  }
0x4e: {  	_ =	shalt  }
0x4f: {  	_ =	shalt  }
0x50: {  	_ =	shalt  }
0x51: {  	_ =	shalt  }
0x52: {  	_ =	shalt  }
0x53: {  	_ =	shalt  }
0x54: {  	_ =	shalt  }
0x55: {  	_ =	shalt  }
0x56: {  	_ =	shalt  }
0x57: {  	_ =	shalt  }
0x58: {  	_ =	shalt  }
0x59: {  	_ =	shalt  }
0x5a: {  	_ =	shalt  }
0x5b: {  	_ =	shalt  }
0x5c: {  	_ =	shalt  }
0x5d: {  	_ =	shalt  }
0x5e: {  	_ =	shalt  }
0x5f: {  	_ =	shalt  }
0x60: {  	_ =	shalt  }
0x61: {  	_ =	shalt  }
0x62: {  	_ =	shalt  }
0x63: {  	_ =	shalt  }
0x64: {  	_ =	shalt  }
0x65: {  	_ =	shalt  }
0x66: {  	_ =	shalt  }
0x67: {  	_ =	shalt  }
0x68: {  	_ =	shalt  }
0x69: {  	_ =	shalt  }
0x6a: {  	_ =	shalt  }
0x6b: {  	_ =	shalt  }
0x6c: {  	_ =	shalt  }
0x6d: {  	_ =	shalt  }
0x6e: {  	_ =	shalt  }
0x6f: {  	_ =	shalt  }
0x70: {  	_ =	shalt  }
0x71: {  	_ =	shalt  }
0x72: {  	_ =	shalt  }
0x73: {  	_ =	shalt  }
0x74: {  	_ =	shalt  }
0x75: {  	_ =	shalt  }
0x76: {  	_ =	shalt  }
0x77: {  	_ =	shalt  }
0x78: {  	_ =	shalt  }
0x79: {  	_ =	shalt  }
0x7a: {  	_ =	shalt  }
0x7b: {  	_ =	shalt  }
0x7c: {  	_ =	shalt  }
0x7d: {  	_ =	shalt  }
0x7e: {  	_ =	shalt  }
0x7f: {  	_ =	shalt  }
0x80: {  	_ =	shalt  }
0x81: {  	_ =	shalt  }
0x82: {  	_ =	shalt  }
0x83: {  	_ =	shalt  }
0x84: {  	_ =	shalt  }
0x85: {  	_ =	shalt  }
0x86: {  	_ =	shalt  }
0x87: {  	_ =	shalt  }
.Lfunc_end0:
.L_simem_size_0:
called_computation_lowered:
.L_overlay_start_0:
0x88: {  	s2 =	sld [smem:$0x3FD9]  }
0x89: {  	s3 =	sld [smem:$0x3FFE];
	_ =	sdelay $0x1  }
0x8a: {  	s1 =	srdreg.scid  }
0x8b: {  	s0 =	sand.u32 $0x1, s1  }
0x8c: {  	s17 =	sshll.u32 s0, $0xA;
	s2 =	sadd.s32 s3, s2  }
0x8d: {  	s2 =	sadd.s32 s2, s17  }
0x8e: {  	[smem:$0x3FC5] =	sst s2  }
0x8f: {  	_ = 	snop  }
0x90: {  	s2 =	sld [smem:$0x3FD0];
	(tm) =	ssettm $0x1  }
0x91: {  	s18 =	sld [smem:$0x3FFB];
	_ =	sdelay $0x3  }
0x92: {  	_ =	strace s18  }
0x93: {  	s3 =	sld [smem:$0x3FFC];
	_ =	sdelay $0x3  }
0x94: {  	_ =	strace s3  }
0x95: {  	s3 =	sld [smem:$0x3FFD];
	_ =	sdelay $0x3  }
0x96: {  	_ =	strace s3  }
0x97: {  	_ =	strace $0x8FFFFFFF  }
0x98: {  	s19 =	sld [smem:$0x3FDB];
	_ =	sdelay $0x1  }
0x99: {  	s4 =	simm.s32 $_scs_section_size  }
0x9a: {  	s5 =	simm.s32 $_size__tile_overlayer_lowered;
	s6 =	simm.s32 $_tile_overlayer_lowered  }
0x9b: {  	s22 =	simm.s32 $0x1BFF;
	s21 =	sshll.u32 s6, $0x1;
	s3 =	sadd.s32 s4, s19  }
0x9c: {  	s7 =	simm.s32 $0x0;
	s20 =	sshll.u32 s5, $0x1;
	s5 =	sadd.s32 s21, s3  }
0x9d: {  	[timem:s7], [sflag:s22] =	dma.local [hbm:s5], s20  }
0x9e: {  	_ =	swait.ge [sflag:s22], s20  }
0x9f: {  	s4 =	ssub.s32 $0x0, s20;
	[sflag:s22] =	ssyncset.done $0x0  }
0xa0: {  	[sflag:s22] =	ssyncadd.s32 s4;
	_ =	sdelay $0x1  }
0xa1: {  	s23 =	simm.s32 $0x1B8B  }
0xa2: {  	_ =	swait.ge [sflag:s23], $0x1  }
0xa3: {  	[sflag:s23] =	ssyncset.done $0x0  }
0xa4: {  	s25 =	simm.s32 $0x1B8E;
	s24 =	sld [smem:$0x3FFE];
	[sflag:s23] =	ssyncadd.s32 $0xFFFFFFFF  }
0xa5: {  	s26 =	simm.s32 $execute0_lowered;
	[smem:$0x3FD2] =	sst s25  }
0xa6: {  	s5 =	sshll.u32 s26, $0x1;
	_ =	strace $0x80000046;
	[dreg:$0x1] =	wrdreg $0xFFFFFFFF  }
0xa7: {  	s28 =	simm.s32 $_size_execute0_lowered;
	s3 =	sadd.s32 s3, s5;
	[dreg:$0x0] =	wrdreg $0x0  }
0xa8: {  	s5 =	sshll.u32 s28, $0x1;
	[dreg:$0x2] =	wrdreg s3  }
0xa9: {  	[dreg:$0x3] =	wrdreg s5  }
0xaa: {  	[dreg:$0x4] =	wrdreg $0xC0  }
0xab: {  	_ =	task [dreg:s7], $0x5FFFF  }
0xac: {  	[dreg:$0x1] =	wrdreg $0xFFFFFFFF  }
0xad: {  	[dreg:$0x0] =	wrdreg $0x60  }
0xae: {  	[dreg:$0x2] =	wrdreg s24  }
0xaf: {  	[dreg:$0x3] =	wrdreg s2  }
0xb0: {  	[dreg:$0x4] =	wrdreg $0x9  }
0xb1: {  	_ =	task.clear_ibuf [dreg:s7], $0x5FFFF;
	_ =	strace $0x90000046  }
0xb2: {  	s29 =	simm.s32 $0x9;
	_ =	strace $0x80000048  }
0xb3: {  	_ =	swait.ge [sflag:s29], $0x1  }
0xb4: {  	[sflag:s29] =	ssyncadd.s32 $0xFFFFFFFF  }
0xb5: {  	_ =	strace $0x90000048  }
0xb6: {  	_ =	sfence  }
0xb7: {  	s30 =	sld [smem:$0x0];
	_ =	sdelay $0x2  }
0xb8: {  	s31 =	sshll.u32 s1, $0xD;
	s1 =	sshrl.u32 s1, $0x2  }
0xb9: {  	s3 =	sand.u32 $0x4000, s31;
	s1 =	sadd.s32 s1, s30  }
0xba: {  	s0 =	sor.u32 s3, s0;
	s1 =	sshll.u32 s1, $0x11  }
0xbb: {  	s0 =	sor.u32 s1, s0  }
0xbc: {  	s0 =	sadd.s32 $0x8F2B, s0  }
0xbd: {  	[sflag:s0] =	ssyncadd.remote.s32 $0x1  }
0xbe: {  	_ =	sfence.sel $0xFFFF  }
0xbf: {  	[dreg:$0x0] =	wrdreg $0xFFFFFFFF;
	(pc) =	sbr.abs _section_cstart, $3  }
0xc0: {  	[dreg:$0x1] =	wrdreg $0xFFFFFFFF  }
0xc1: {  	_ =	task.clear_ibuf [dreg:s7], $0x2FFFF;
	_ =	strace $0x9FFFFFFF  }
0xc2: {  	(tm) =	ssettm $0x7FFFFFFF  }
0xc3: {  	_ =	shalt  }
tec
execute0_lowered:
.L_overlay_start_1:
0x0: {  	(tag) =	ssettag $0x1  }
0x1: {  	s0 =	rddreg [dreg:$0x0]  }
0x2: {  	s1 =	rddreg [dreg:$0x1]  }
0x3: {  	s3 =	srdreg.scid;
	s4 =	stileid.u32;
	s2 =	simm.s32 $0x0  }
0x4: {  	s9 =	simm.s32 $0x80;
	s10 =	simm.s32 $0x600;
	s12 =	simm.s32 $0x4600  }
0x5: {  	s14 =	simm.s32 $0x8600;
	s17 =	simm.s32 $0x5600;
	s18 =	simm.s32 $0x480  }
0x6: {  	s19 =	simm.s32 $0x9600;
	s20 =	simm.s32 $0x100;
	s21 =	simm.s32 $0x2600  }
0x7: {  	s22 =	simm.s32 $0x300;
	s23 =	simm.s32 $0x6600;
	s24 =	simm.s32 $0x500  }
0x8: {  	s25 =	simm.s32 $0xA600;
	s28 =	simm.s32 $0x3600;
	s29 =	simm.s32 $0x380  }
0x9: {  	s30 =	simm.s32 $0x7600;
	s31 =	simm.s32 $0x580;
	s11 =	simm.s32 $0xC600  }
0xa: {  	s3 =	sand.u32 $0x1, s3;
	s4 =	sshll.u32 s4, $0x1;
	[smem:$0x7FF] =	sst s2  }
0xb: {  	s13 =	simm.s32 $0x0;
	s5 =	sor.u32 s3, s4;
	_ =	strace $0x80000047  }
0xc: {  	s7 =	ssub.s32 $0x2, s3;
	s3 =	sadd.s32 $0x1313400, s0;
	s6 =	smul.u32 $0xC0, s5  }
0xd: {  	v0 =	vlaneseq.u32;
	s4 =	sadd.s32 $0xF42A00, s0;
	s8 =	sshrl.u32 s7, $0x1;
	s26 =	sshll.u32 s5, $0x6  }
0xe: {  	v1 =	vmul.u32 $0x20, v0;
	s7 =	ssub.s32 s7, s8;
	s8 =	simm.s32 $0x2;
	s0 =	sadd.s32 s6, s0  }
0xf: {  	s6 =	sadd.s32 s1, s26;
	s7 =	smax.u32 s7, $0x1;
	s26 =	simm.s32 $0x180  }
0x10: {  	[tilespmem:$0x1FFF0] =	vst v1;
	s1 =	simm.s32 $0x1;
	s5 =	sadd.s32 $0x600, s0;
	s0 =	simm.s32 $0xB600  }
.LBB2_1:
0x11: {  	[tilespmem:s2], [sflag:$0x2] =	stream.linear.gather [hbm4b:s5+s2], $0x600, $0x38;
	[tilespmem:$0xC800] =	vst v63  }
0x12: {  	_ =	swait.ge [sflag:s8], $0x600  }
0x13: {  	[sflag:s8] =	ssyncset.done $0x0  }
0x14: {  	[sflag:s8] =	ssyncadd.s32 $0xFFFFFA00  }
0x15: {  	[tilespmem:s10], [sflag:$0x1] =	stream.indirect.gather [hbm4b:s3+s9], $0x20, s2, s9, $0xb8;
	[tilespmem:$0xC800] =	vst v63  }
0x16: {  	s15 =	simm.s32 $0x200  }
0x17: {  	[tilespmem:s12], [sflag:$0x1] =	stream.indirect.gather [hbm4b:s4+s9], $0x20, s15, s9, $0xb8;
	[tilespmem:$0xC800] =	vst v63  }
0x18: {  	s16 =	simm.s32 $0x400  }
0x19: {  	[tilespmem:s14], [sflag:$0x1] =	stream.indirect.gather [hbm4b:s3+s9], $0x20, s16, s9, $0xb8;
	[tilespmem:$0xC800] =	vst v63  }
0x1a: {  	s16 =	simm.s32 $0x1600  }
0x1b: {  	[tilespmem:s16], [sflag:$0x1] =	stream.indirect.gather [hbm4b:s3+s9], $0x20, s9, s9, $0xb8;
	[tilespmem:$0xC800] =	vst v63  }
0x1c: {  	s16 =	simm.s32 $0x280  }
0x1d: {  	[tilespmem:s17], [sflag:$0x1] =	stream.indirect.gather [hbm4b:s4+s9], $0x20, s16, s9, $0xb8;
	[tilespmem:$0xC800] =	vst v63  }
0x1e: {  	_ = 	snop  }
0x1f: {  	[tilespmem:s19], [sflag:$0x1] =	stream.indirect.gather [hbm4b:s3+s9], $0x20, s18, s9, $0xb8;
	[tilespmem:$0xC800] =	vst v63  }
0x20: {  	_ = 	snop  }
0x21: {  	[tilespmem:s21], [sflag:$0x1] =	stream.indirect.gather [hbm4b:s3+s9], $0x20, s20, s9, $0xb8;
	[tilespmem:$0xC800] =	vst v63  }
0x22: {  	_ = 	snop  }
0x23: {  	[tilespmem:s23], [sflag:$0x1] =	stream.indirect.gather [hbm4b:s4+s9], $0x20, s22, s9, $0xb8;
	[tilespmem:$0xC800] =	vst v63  }
0x24: {  	_ = 	snop  }
0x25: {  	[tilespmem:s25], [sflag:$0x1] =	stream.indirect.gather [hbm4b:s3+s9], $0x20, s24, s9, $0xb8;
	[tilespmem:$0xC800] =	vst v63  }
0x26: {  	_ = 	snop  }
0x27: {  	[tilespmem:s28], [sflag:$0x1] =	stream.indirect.gather [hbm4b:s3+s9], $0x20, s26, s9, $0xb8;
	[tilespmem:$0xC800] =	vst v63  }
0x28: {  	_ = 	snop  }
0x29: {  	[tilespmem:s30], [sflag:$0x1] =	stream.indirect.gather [hbm4b:s4+s9], $0x20, s29, s9, $0xb8;
	[tilespmem:$0xC800] =	vst v63  }
0x2a: {  	_ = 	snop  }
0x2b: {  	[tilespmem:s0], [sflag:$0x1] =	stream.indirect.gather [hbm4b:s3+s9], $0x20, s31, s9, $0xb8;
	[tilespmem:$0xC800] =	vst v63  }
0x2c: {  	_ =	swait.ge [sflag:s1], $0x1000  }
0x2d: {  	[sflag:s1] =	ssyncset.done $0x0  }
0x2e: {  	[sflag:s1] =	ssyncadd.s32 $0xFFFFF000  }
0x2f: {  	_ =	swait.ge [sflag:s1], $0x1000  }
0x30: {  	[sflag:s1] =	ssyncset.done $0x0  }
0x31: {  	[sflag:s1] =	ssyncadd.s32 $0xFFFFF000  }
0x32: {  	_ =	swait.ge [sflag:s1], $0x1000  }
0x33: {  	[sflag:s1] =	ssyncset.done $0x0  }
0x34: {  	[sflag:s1] =	ssyncadd.s32 $0xFFFFF000  }
0x35: {  	_ =	swait.ge [sflag:s1], $0x1000  }
0x36: {  	[sflag:s1] =	ssyncset.done $0x0  }
0x37: {  	[sflag:s1] =	ssyncadd.s32 $0xFFFFF000  }
0x38: {  	_ =	swait.ge [sflag:s1], $0x1000  }
0x39: {  	[sflag:s1] =	ssyncset.done $0x0  }
0x3a: {  	[sflag:s1] =	ssyncadd.s32 $0xFFFFF000  }
0x3b: {  	_ =	swait.ge [sflag:s1], $0x1000  }
0x3c: {  	[sflag:s1] =	ssyncset.done $0x0  }
0x3d: {  	[sflag:s1] =	ssyncadd.s32 $0xFFFFF000  }
0x3e: {  	_ =	swait.ge [sflag:s1], $0x1000  }
0x3f: {  	[sflag:s1] =	ssyncset.done $0x0  }
0x40: {  	[sflag:s1] =	ssyncadd.s32 $0xFFFFF000  }
0x41: {  	_ =	swait.ge [sflag:s1], $0x1000  }
0x42: {  	[sflag:s1] =	ssyncset.done $0x0  }
0x43: {  	[sflag:s1] =	ssyncadd.s32 $0xFFFFF000  }
0x44: {  	_ =	swait.ge [sflag:s1], $0x1000  }
0x45: {  	[sflag:s1] =	ssyncset.done $0x0  }
0x46: {  	[sflag:s1] =	ssyncadd.s32 $0xFFFFF000  }
0x47: {  	_ =	swait.ge [sflag:s1], $0x1000  }
0x48: {  	[sflag:s1] =	ssyncset.done $0x0  }
0x49: {  	[sflag:s1] =	ssyncadd.s32 $0xFFFFF000  }
0x4a: {  	_ =	swait.ge [sflag:s1], $0x1000  }
0x4b: {  	[sflag:s1] =	ssyncset.done $0x0  }
0x4c: {  	[sflag:s1] =	ssyncadd.s32 $0xFFFFF000  }
0x4d: {  	_ =	swait.ge [sflag:s1], $0x1000  }
0x4e: {  	[sflag:s1] =	ssyncset.done $0x0  }
0x4f: {  	s15 =	simm.s32 $0xC600;
	s16 =	simm.s32 $0x0;
	[sflag:s1] =	ssyncadd.s32 $0xFFFFF000  }
.LBB2_2:
0x50: {  	_ =	sdelay $0x1  }
0x51: {  	v0 =	vmov s16  }
0x52: {  	v0 =	vshll.u32 v0, $0x5  }
0x53: {  	v0 =	vor.u32 v1, v0;
	_ =	sdelay $0x2  }
0x54: {  	v1 =	vor.u32 $0x1, v0;
	_ =	sdelay $0x1  }
0x55: {  	v42 =	vld.idx.msk [tilespmem:v0+s10+$0x0], $0xffff  }
0x56: {  	v2 =	vor.u32 $0x2, v0;
	v43 =	vld.idx.msk [tilespmem:v0+s12+$0x0], $0xffff  }
0x57: {  	v7 =	vld.idx.msk [tilespmem:v0+s14+$0x0], $0xffff  }
0x58: {  	v45 =	vld.idx.msk [tilespmem:v1+s10+$0x0], $0xffff  }
0x59: {  	v3 =	vor.u32 $0x3, v0;
	v46 =	vld.idx.msk [tilespmem:v1+s12+$0x0], $0xffff  }
0x5a: {  	v41 =	vld.idx.msk [tilespmem:v1+s14+$0x0], $0xffff  }
0x5b: {  	v8 =	vld.idx.msk [tilespmem:v2+s10+$0x0], $0xffff  }
0x5c: {  	v56 =	vor.u32 $0xE, v0;
	v38 =	vld.idx.msk [tilespmem:v2+s12+$0x0], $0xffff  }
0x5d: {  	v22 =	vld.idx.msk [tilespmem:v2+s14+$0x0], $0xffff  }
0x5e: {  	v61 =	vor.u32 $0xF, v0;
	v26 =	vld.idx.msk [tilespmem:v3+s10+$0x0], $0xffff  }
0x5f: {  	v28 =	vld.idx.msk [tilespmem:v3+s12+$0x0], $0xffff  }
0x60: {  	v1 =	vor.u32 $0x4, v0;
	v27 =	vld.idx.msk [tilespmem:v3+s14+$0x0], $0xffff  }
0x61: {  	v39 =	vld.idx.msk [tilespmem:v56+s12+$0x0], $0xffff  }
0x62: {  	v40 =	vld.idx.msk [tilespmem:v56+s14+$0x0], $0xffff  }
0x63: {  	v2 =	vor.u32 $0x5, v0;
	v44 =	vld.idx.msk [tilespmem:v61+s10+$0x0], $0xffff  }
0x64: {  	v47 =	vld.idx.msk [tilespmem:v61+s12+$0x0], $0xffff  }
0x65: {  	v33 =	vld.idx.msk [tilespmem:v1+s10+$0x0], $0xffff  }
0x66: {  	v3 =	vor.u32 $0x6, v0;
	v36 =	vld.idx.msk [tilespmem:v1+s12+$0x0], $0xffff  }
0x67: {  	v35 =	vld.idx.msk [tilespmem:v1+s14+$0x0], $0xffff  }
0x68: {  	v29 =	vld.idx.msk [tilespmem:v2+s10+$0x0], $0xffff  }
0x69: {  	v34 =	vld.idx.msk [tilespmem:v2+s12+$0x0], $0xffff  }
0x6a: {  	v1 =	vor.u32 $0x7, v0;
	v32 =	vld.idx.msk [tilespmem:v2+s14+$0x0], $0xffff  }
0x6b: {  	v30 =	vld.idx.msk [tilespmem:v3+s10+$0x0], $0xffff  }
0x6c: {  	v31 =	vld.idx.msk [tilespmem:v3+s12+$0x0], $0xffff  }
0x6d: {  	v5 =	vand.u32 $0x7FFFFFFF, v43;
	v2 =	vor.u32 $0x8, v0;
	v25 =	vld.idx.msk [tilespmem:v3+s14+$0x0], $0xffff;
	v48 =	vand.u32 $0x7FFFFFFF, v46  }
0x6e: {  	v5 =	vadd.f32 v48, v5;
	v48 =	vld.idx.msk [tilespmem:v61+s14+$0x0], $0xffff  }
0x6f: {  	v23 =	vld.idx.msk [tilespmem:v1+s10+$0x0], $0xffff  }
0x70: {  	v3 =	vor.u32 $0x9, v0;
	v24 =	vld.idx.msk [tilespmem:v1+s12+$0x0], $0xffff  }
0x71: {  	v17 =	vld.idx.msk [tilespmem:v1+s14+$0x0], $0xffff  }
0x72: {  	v15 =	vld.idx.msk [tilespmem:v2+s10+$0x0], $0xffff  }
0x73: {  	v16 =	vld.idx.msk [tilespmem:v2+s12+$0x0], $0xffff  }
0x74: {  	v1 =	vor.u32 $0xA, v0;
	v9 =	vld.idx.msk [tilespmem:v2+s14+$0x0], $0xffff  }
0x75: {  	v18 =	vld.idx.msk [tilespmem:v3+s10+$0x0], $0xffff  }
0x76: {  	v19 =	vld.idx.msk [tilespmem:v3+s12+$0x0], $0xffff  }
0x77: {  	[tilespmem:$0x1FDB0] =	vst v8;
	v2 =	vor.u32 $0xB, v0;
	v13 =	vld.idx.msk [tilespmem:v3+s14+$0x0], $0xffff  }
0x78: {  	v51 =	vand.u32 $0x7FFFFFFF, v8;
	[tilespmem:$0x1FE40] =	vst v34;
	v8 =	vand.u32 $0x7FFFFFFF, v34;
	v34 =	vld.idx.msk [tilespmem:v56+s10+$0x0], $0xffff  }
0x79: {  	v50 =	vor.u32 $0xD, v0;
	v37 =	vor.u32 $0x10, v0;
	v4 =	vand.u32 $0x7FFFFFFF, v42;
	v10 =	vld.idx.msk [tilespmem:v1+s10+$0x0], $0xffff  }
0x7a: {  	[tilespmem:$0x1FDA0] =	vst v7;
	v6 =	vand.u32 $0x7FFFFFFF, v45;
	v49 =	vand.u32 $0x7FFFFFFF, v41;
	v3 =	vor.u32 $0xC, v0;
	v11 =	vld.idx.msk [tilespmem:v1+s12+$0x0], $0xffff  }
0x7b: {  	[tilespmem:$0x1FDC0] =	vst v22;
	v52 =	vand.u32 $0x7FFFFFFF, v38;
	v54 =	vand.u32 $0x7FFFFFFF, v22;
	v55 =	vand.u32 $0x7FFFFFFF, v26;
	v12 =	vld.idx.msk [tilespmem:v1+s14+$0x0], $0xffff  }
0x7c: {  	[tilespmem:$0x1FDD0] =	vst v26;
	v57 =	vand.u32 $0x7FFFFFFF, v28;
	v58 =	vand.u32 $0x7FFFFFFF, v27;
	v4 =	vadd.f32 v6, v4;
	v14 =	vld.idx.msk [tilespmem:v2+s10+$0x0], $0xffff  }
0x7d: {  	[tilespmem:$0x1FDE0] =	vst v28;
	v61 =	vor.u32 $0x12, v0;
	v6 =	vor.u32 $0x1D, v0;
	v53 =	vadd.f32 v52, v5;
	v20 =	vld.idx.msk [tilespmem:v2+s12+$0x0], $0xffff  }
0x7e: {  	[tilespmem:$0x1FE10] =	vst v27;
	v5 =	vor.u32 $0x1B, v0;
	v59 =	vand.u32 $0x7FFFFFFF, v33;
	v60 =	vand.u32 $0x7FFFFFFF, v36;
	v21 =	vld.idx.msk [tilespmem:v2+s14+$0x0], $0xffff  }
0x7f: {  	[tilespmem:$0x1FDF0] =	vst v33;
	v62 =	vand.u32 $0x7FFFFFFF, v35;
	v63 =	vand.u32 $0x7FFFFFFF, v29;
	v1 =	vand.u32 $0x7FFFFFFF, v7;
	v22 =	vld.idx.msk [tilespmem:v3+s10+$0x0], $0xffff  }
0x80: {  	[tilespmem:$0x1FE20] =	vst v35;
	v35 =	vand.u32 $0x7FFFFFFF, v32;
	v2 =	vadd.f32 v51, v4;
	v26 =	vld.idx.msk [tilespmem:v3+s12+$0x0], $0xffff;
	v1 =	vadd.f32 v49, v1  }
0x81: {  	[tilespmem:$0x1FE00] =	vst v36;
	v52 =	vand.u32 $0x7FFFFFFF, v30;
	v56 =	vor.u32 $0x11, v0;
	v27 =	vld.idx.msk [tilespmem:v3+s14+$0x0], $0xffff;
	v3 =	vadd.f32 v57, v53  }
0x82: {  	[tilespmem:$0x1FE30] =	vst v29;
	v53 =	vand.u32 $0x7FFFFFFF, v31;
	v2 =	vadd.f32 v55, v2;
	v1 =	vadd.f32 v54, v1  }
0x83: {  	[tilespmem:$0x1FE70] =	vst v31;
	v57 =	vand.u32 $0x7FFFFFFF, v24;
	v31 =	vor.u32 $0x15, v0;
	v3 =	vadd.f32 v60, v3  }
0x84: {  	v28 =	vld.idx.msk [tilespmem:v50+s10+$0x0], $0xffff;
	[tilespmem:$0x1FE60] =	vst v30;
	v7 =	vor.u32 $0x1C, v0;
	v2 =	vadd.f32 v59, v2;
	v1 =	vadd.f32 v58, v1  }
0x85: {  	[tilespmem:$0x1FE80] =	vst v25;
	v33 =	vld.idx.msk [tilespmem:v50+s12+$0x0], $0xffff;
	v55 =	vand.u32 $0x7FFFFFFF, v23;
	v60 =	vand.u32 $0x7FFFFFFF, v16;
	v3 =	vadd.f32 v8, v3  }
0x86: {  	v29 =	vld.idx.msk [tilespmem:v50+s14+$0x0], $0xffff;
	[tilespmem:$0x1FE90] =	vst v23;
	v54 =	vand.u32 $0x7FFFFFFF, v25;
	v2 =	vadd.f32 v63, v2;
	v1 =	vadd.f32 v62, v1  }
0x87: {  	v50 =	vld.idx.msk [tilespmem:v37+s12+$0x0], $0xffff;
	[tilespmem:$0x1FEF0] =	vst v19;
	v59 =	vand.u32 $0x7FFFFFFF, v15;
	v8 =	vand.u32 $0x7FFFFFFF, v19;
	v19 =	vor.u32 $0x14, v0  }
0x88: {  	[tilespmem:$0x1FEC0] =	vst v15;
	v51 =	vld.idx.msk [tilespmem:v37+s14+$0x0], $0xffff;
	v58 =	vand.u32 $0x7FFFFFFF, v17;
	v2 =	vadd.f32 v52, v2;
	v1 =	vadd.f32 v35, v1  }
0x89: {  	[tilespmem:$0x1FED0] =	vst v16;
	v49 =	vld.idx.msk [tilespmem:v37+s10+$0x0], $0xffff;
	v15 =	vand.u32 $0x7FFFFFFF, v10;
	v16 =	vand.u32 $0x7FFFFFFF, v11;
	v3 =	vadd.f32 v53, v3  }
0x8a: {  	[tilespmem:$0x1FEB0] =	vst v17;
	v17 =	vand.u32 $0x7FFFFFFF, v12;
	v36 =	vld.idx.msk [tilespmem:v31+s10+$0x0], $0xffff;
	v2 =	vadd.f32 v55, v2;
	v1 =	vadd.f32 v54, v1  }
0x8b: {  	[tilespmem:$0x1FEA0] =	vst v24;
	v23 =	vand.u32 $0x7FFFFFFF, v20;
	v37 =	vld.idx.msk [tilespmem:v31+s14+$0x0], $0xffff;
	v63 =	vand.u32 $0x7FFFFFFF, v18;
	v3 =	vadd.f32 v57, v3  }
0x8c: {  	[tilespmem:$0x1FF00] =	vst v9;
	v53 =	vld.idx.msk [tilespmem:v56+s12+$0x0], $0xffff;
	v62 =	vand.u32 $0x7FFFFFFF, v9;
	v2 =	vadd.f32 v59, v2;
	v1 =	vadd.f32 v58, v1  }
0x8d: {  	[tilespmem:$0x1FF10] =	vst v13;
	v9 =	vand.u32 $0x7FFFFFFF, v13;
	v13 =	vor.u32 $0x13, v0;
	v52 =	vld.idx.msk [tilespmem:v56+s10+$0x0], $0xffff;
	v3 =	vadd.f32 v60, v3  }
0x8e: {  	[tilespmem:$0x1FEE0] =	vst v18;
	v24 =	vand.u32 $0x7FFFFFFF, v21;
	v57 =	vld.idx.msk [tilespmem:v61+s12+$0x0], $0xffff;
	v2 =	vadd.f32 v63, v2;
	v1 =	vadd.f32 v62, v1  }
0x8f: {  	[tilespmem:$0x1FF20] =	vst v10;
	v25 =	vand.u32 $0x7FFFFFFF, v22;
	v30 =	vand.u32 $0x7FFFFFFF, v26;
	v35 =	vld.idx.msk [tilespmem:v31+s12+$0x0], $0xffff;
	v3 =	vadd.f32 v8, v3  }
0x90: {  	[tilespmem:$0x1FF30] =	vst v11;
	v10 =	vand.u32 $0x7FFFFFFF, v28;
	v55 =	vld.idx.msk [tilespmem:v61+s14+$0x0], $0xffff;
	v2 =	vadd.f32 v15, v2;
	v1 =	vadd.f32 v9, v1  }
0x91: {  	[tilespmem:$0x1FF40] =	vst v12;
	v11 =	vand.u32 $0x7FFFFFFF, v33;
	v18 =	vand.u32 $0x7FFFFFFF, v14;
	v54 =	vld.idx.msk [tilespmem:v56+s14+$0x0], $0xffff;
	v3 =	vadd.f32 v16, v3  }
0x92: {  	[tilespmem:$0x1FF60] =	vst v20;
	v12 =	vand.u32 $0x7FFFFFFF, v29;
	v60 =	vld.idx.msk [tilespmem:v13+s12+$0x0], $0xffff;
	v2 =	vadd.f32 v18, v2;
	v1 =	vadd.f32 v17, v1  }
0x93: {  	[tilespmem:$0x1FF80] =	vst v22;
	v20 =	vand.u32 $0x7FFFFFFF, v48;
	v22 =	vand.u32 $0x7FFFFFFF, v50;
	v59 =	vld.idx.msk [tilespmem:v13+s14+$0x0], $0xffff;
	v3 =	vadd.f32 v23, v3  }
0x94: {  	v58 =	vld.idx.msk [tilespmem:v13+s10+$0x0], $0xffff;
	v13 =	vor.u32 $0x16, v0;
	v2 =	vadd.f32 v25, v2;
	v1 =	vadd.f32 v24, v1  }
0x95: {  	[tilespmem:$0x1FF50] =	vst v14;
	v14 =	vand.u32 $0x7FFFFFFF, v34;
	v56 =	vld.idx.msk [tilespmem:v61+s10+$0x0], $0xffff;
	v9 =	vand.u32 $0x7FFFFFFF, v27;
	v3 =	vadd.f32 v30, v3  }
0x96: {  	[tilespmem:$0x1FF70] =	vst v21;
	v21 =	vand.u32 $0x7FFFFFFF, v49;
	v61 =	vld.idx.msk [tilespmem:v19+s10+$0x0], $0xffff;
	v2 =	vadd.f32 v10, v2;
	v1 =	vadd.f32 v9, v1  }
0x97: {  	v63 =	vld.idx.msk [tilespmem:v19+s12+$0x0], $0xffff;
	v16 =	vand.u32 $0x7FFFFFFF, v40;
	v23 =	vor.u32 $0x18, v0;
	v3 =	vadd.f32 v11, v3  }
0x98: {  	v62 =	vld.idx.msk [tilespmem:v19+s14+$0x0], $0xffff;
	v15 =	vand.u32 $0x7FFFFFFF, v39;
	v2 =	vadd.f32 v14, v2;
	v1 =	vadd.f32 v12, v1  }
0x99: {  	[tilespmem:$0x1FFD0] =	vst v34;
	v19 =	vand.u32 $0x7FFFFFFF, v47;
	v34 =	vld.idx.msk [tilespmem:v13+s10+$0x0], $0xffff;
	v17 =	vand.u32 $0x7FFFFFFF, v44;
	v3 =	vadd.f32 v15, v3  }
0x9a: {  	[tilespmem:$0x1FE50] =	vst v32;
	v18 =	vor.u32 $0x17, v0;
	v32 =	vld.idx.msk [tilespmem:v13+s12+$0x0], $0xffff;
	v2 =	vadd.f32 v17, v2;
	v1 =	vadd.f32 v16, v1  }
0x9b: {  	[tilespmem:$0x1FFC0] =	vst v33;
	v8 =	vand.u32 $0x7FFFFFFF, v53;
	v33 =	vld.idx.msk [tilespmem:v13+s14+$0x0], $0xffff;
	v10 =	vor.u32 $0x19, v0;
	v3 =	vadd.f32 v19, v3  }
0x9c: {  	[tilespmem:$0x1FFB0] =	vst v28;
	v31 =	vand.u32 $0x7FFFFFFF, v52;
	v28 =	vld.idx.msk [tilespmem:v23+s10+$0x0], $0xffff;
	v2 =	vadd.f32 v21, v2;
	v1 =	vadd.f32 v20, v1  }
0x9d: {  	[tilespmem:$0x1FF90] =	vst v26;
	v30 =	vand.u32 $0x7FFFFFFF, v51;
	v13 =	vand.u32 $0x7FFFFFFF, v55;
	v26 =	vld.idx.msk [tilespmem:v23+s12+$0x0], $0xffff;
	v3 =	vadd.f32 v22, v3  }
0x9e: {  	[tilespmem:$0x1FFA0] =	vst v27;
	v11 =	vand.u32 $0x7FFFFFFF, v56;
	v27 =	vld.idx.msk [tilespmem:v23+s14+$0x0], $0xffff;
	v2 =	vadd.f32 v31, v2;
	v1 =	vadd.f32 v30, v1  }
0x9f: {  	[tilespmem:$0x1FFE0] =	vst v29;
	v15 =	vor.u32 $0x1A, v0;
	v9 =	vand.u32 $0x7FFFFFFF, v54;
	v29 =	vld.idx.msk [tilespmem:v18+s12+$0x0], $0xffff;
	v3 =	vadd.f32 v8, v3  }
0xa0: {  	v12 =	vand.u32 $0x7FFFFFFF, v57;
	v25 =	vld.idx.msk [tilespmem:v10+s10+$0x0], $0xffff;
	v2 =	vadd.f32 v11, v2;
	v1 =	vadd.f32 v9, v1  }
0xa1: {  	v14 =	vand.u32 $0x7FFFFFFF, v58;
	v19 =	vand.u32 $0x7FFFFFFF, v63;
	v23 =	vld.idx.msk [tilespmem:v10+s12+$0x0], $0xffff;
	v3 =	vadd.f32 v12, v3  }
0xa2: {  	v16 =	vand.u32 $0x7FFFFFFF, v60;
	v31 =	vld.idx.msk [tilespmem:v18+s14+$0x0], $0xffff;
	v2 =	vadd.f32 v14, v2;
	v1 =	vadd.f32 v13, v1  }
0xa3: {  	v17 =	vand.u32 $0x7FFFFFFF, v59;
	v30 =	vld.idx.msk [tilespmem:v18+s10+$0x0], $0xffff;
	v18 =	vand.u32 $0x7FFFFFFF, v61;
	v3 =	vadd.f32 v16, v3  }
0xa4: {  	v22 =	vand.u32 $0x7FFFFFFF, v36;
	v24 =	vld.idx.msk [tilespmem:v10+s14+$0x0], $0xffff;
	v2 =	vadd.f32 v18, v2;
	v1 =	vadd.f32 v17, v1  }
0xa5: {  	v10 =	vand.u32 $0x7FFFFFFF, v37;
	v21 =	vand.u32 $0x7FFFFFFF, v62;
	v20 =	vld.idx.msk [tilespmem:v15+s12+$0x0], $0xffff;
	v3 =	vadd.f32 v19, v3  }
0xa6: {  	v16 =	vld.idx.msk [tilespmem:v7+s14+$0x0], $0xffff;
	v9 =	vand.u32 $0x7FFFFFFF, v35;
	v2 =	vadd.f32 v22, v2;
	v1 =	vadd.f32 v21, v1  }
0xa7: {  	v8 =	vand.u32 $0x7FFFFFFF, v26;
	v11 =	vand.u32 $0x7FFFFFFF, v34;
	v19 =	vld.idx.msk [tilespmem:v5+s10+$0x0], $0xffff;
	v3 =	vadd.f32 v9, v3  }
0xa8: {  	v12 =	vand.u32 $0x7FFFFFFF, v32;
	v18 =	vld.idx.msk [tilespmem:v5+s14+$0x0], $0xffff;
	v2 =	vadd.f32 v11, v2;
	v1 =	vadd.f32 v10, v1  }
0xa9: {  	v13 =	vand.u32 $0x7FFFFFFF, v33;
	v14 =	vand.u32 $0x7FFFFFFF, v30;
	v3 =	vadd.f32 v12, v3;
	v21 =	vld.idx.msk [tilespmem:v15+s10+$0x0], $0xffff  }
0xaa: {  	v9 =	vand.u32 $0x7FFFFFFF, v29;
	v17 =	vld.idx.msk [tilespmem:v5+s12+$0x0], $0xffff;
	v2 =	vadd.f32 v14, v2;
	v1 =	vadd.f32 v13, v1  }
0xab: {  	v22 =	vld.idx.msk [tilespmem:v15+s14+$0x0], $0xffff;
	v3 =	vadd.f32 v9, v3;
	v11 =	vand.u32 $0x7FFFFFFF, v28;
	v10 =	vand.u32 $0x7FFFFFFF, v31  }
0xac: {  	v15 =	vld.idx.msk [tilespmem:v7+s10+$0x0], $0xffff;
	v2 =	vadd.f32 v11, v2;
	v5 =	vadd.f32 v10, v1;
	v1 =	vor.u32 $0x1E, v0  }
0xad: {  	v9 =	vand.u32 $0x7FFFFFFF, v27;
	v14 =	vld.idx.msk [tilespmem:v7+s12+$0x0], $0xffff;
	v3 =	vadd.f32 v8, v3;
	v10 =	vand.u32 $0x7FFFFFFF, v25  }
0xae: {  	v13 =	vld.idx.msk [tilespmem:v6+s10+$0x0], $0xffff;
	v11 =	vand.u32 $0x7FFFFFFF, v23;
	v12 =	vand.u32 $0x7FFFFFFF, v21;
	v7 =	vadd.f32 v10, v2  }
0xaf: {  	v3 =	vadd.f32 v11, v3;
	v11 =	vld.idx.msk [tilespmem:v6+s12+$0x0], $0xffff;
	v2 =	vor.u32 $0x1F, v0;
	v4 =	vadd.f32 v9, v5  }
0xb0: {  	v10 =	vand.u32 $0x7FFFFFFF, v20;
	v9 =	vand.u32 $0x7FFFFFFF, v24;
	v0 =	vadd.f32 v12, v7;
	v12 =	vld.idx.msk [tilespmem:v6+s14+$0x0], $0xffff  }
0xb1: {  	v3 =	vadd.f32 v10, v3;
	v5 =	vand.u32 $0x7FFFFFFF, v19;
	v4 =	vadd.f32 v9, v4;
	v10 =	vld.idx.msk [tilespmem:v1+s10+$0x0], $0xffff  }
0xb2: {  	v6 =	vand.u32 $0x7FFFFFFF, v22;
	v5 =	vadd.f32 v5, v0;
	v0 =	vand.u32 $0x7FFFFFFF, v17;
	v8 =	vld.idx.msk [tilespmem:v1+s12+$0x0], $0xffff  }
0xb3: {  	v9 =	vld.idx.msk [tilespmem:v1+s14+$0x0], $0xffff;
	v1 =	vand.u32 $0x7FFFFFFF, v15;
	v4 =	vadd.f32 v6, v4;
	v6 =	vadd.f32 v0, v3  }
0xb4: {  	v3 =	vand.u32 $0x7FFFFFFF, v18;
	v0 =	vand.u32 $0x7FFFFFFF, v14;
	v7 =	vld.idx.msk [tilespmem:v2+s10+$0x0], $0xffff;
	v1 =	vadd.f32 v1, v5  }
0xb5: {  	v4 =	vadd.f32 v3, v4;
	v3 =	vadd.f32 v0, v6;
	v6 =	vand.u32 $0x7FFFFFFF, v13  }
0xb6: {  	v0 =	vand.u32 $0x7FFFFFFF, v11;
	v1 =	vadd.f32 v6, v1;
	v6 =	vand.u32 $0x7FFFFFFF, v16  }
0xb7: {  	v5 =	vld.idx.msk [tilespmem:v2+s12+$0x0], $0xffff;
	v4 =	vadd.f32 v6, v4;
	v0 =	vadd.f32 v0, v3;
	v3 =	vand.u32 $0x7FFFFFFF, v10  }
0xb8: {  	v1 =	vadd.f32 v3, v1;
	v3 =	vand.u32 $0x7FFFFFFF, v12  }
0xb9: {  	v2 =	vld.idx.msk [tilespmem:v2+s14+$0x0], $0xffff;
	v3 =	vadd.f32 v3, v4;
	v4 =	vand.u32 $0x7FFFFFFF, v7  }
0xba: {  	v6 =	vand.u32 $0x7FFFFFFF, v8;
	v1 =	vadd.f32 v4, v1  }
0xbb: {  	v0 =	vadd.f32 v6, v0  }
0xbc: {  	v6 =	vand.u32 $0x7FFFFFFF, v5;
	v4 =	vand.u32 $0x7FFFFFFF, v9;
	(erf) = vrcp.f32 v1  }
0xbd: {  	v3 =	vadd.f32 v4, v3;
	v0 =	vadd.f32 v6, v0  }
0xbe: {  	v1 =	vand.u32 $0x7FFFFFFF, v2  }
0xbf: {  	v1 =	vadd.f32 v1, v3;
	(erf) = vrcp.f32 v0;
	_ =	sdelay $0x1  }
0xc0: {  	(erf) = vrcp.f32 v1;
	_ =	sdelay $0x3  }
0xc1: {  	v0 =	vpop (erf)  }
0xc2: {  	v6 =	vmul.f32 v0, v45;
	v45 =	vld [tilespmem:$0x1FDA0];
	_ =	sdelay $0x1  }
0xc3: {  	v1 =	vpop (erf)  }
0xc4: {  	v3 =	vmul.f32 v0, v42;
	v4 =	vmul.f32 v1, v43  }
0xc5: {  	v42 =	vpop (erf)  }
0xc6: {  	v3 =	vadd.f32 v4, v3;
	v4 =	vmul.f32 v42, v45;
	v45 =	vld [tilespmem:$0x1FDD0]  }
0xc7: {  	v46 =	vmul.f32 v1, v46;
	_ =	sdelay $0x1  }
0xc8: {  	v6 =	vadd.f32 v46, v6;
	v41 =	vmul.f32 v42, v41;
	_ =	sdelay $0x1  }
0xc9: {  	v6 =	vsub.f32 v6, v41;
	v41 =	vmul.f32 v0, v45;
	v45 =	vld [tilespmem:$0x1FDF0]  }
0xca: {  	v46 =	vld [tilespmem:$0x1FDB0]  }
0xcb: {  	v3 =	vsub.f32 v3, v4;
	_ =	sdelay $0x1  }
0xcc: {  	v43 =	vld [tilespmem:$0x1FDC0];
	v6 =	vand.u32 $0x7FFFFFFF, v6;
	v3 =	vand.u32 $0x7FFFFFFF, v3  }
0xcd: {  	v3 =	vadd.f32 v6, v3;
	v6 =	vmul.f32 v0, v45;
	v45 =	vld [tilespmem:$0x1FE00]  }
0xce: {  	v4 =	vmul.f32 v0, v46;
	v46 =	vld [tilespmem:$0x1FDE0];
	_ =	sdelay $0x2  }
0xcf: {  	v38 =	vmul.f32 v1, v38  }
0xd0: {  	v45 =	vmul.f32 v1, v45  }
0xd1: {  	v4 =	vadd.f32 v38, v4;
	v38 =	vmul.f32 v42, v43;
	v43 =	vmul.f32 v1, v46;
	v46 =	vld [tilespmem:$0x1FE10]  }
0xd2: {  	v6 =	vadd.f32 v45, v6;
	v45 =	vld [tilespmem:$0x1FE20];
	_ =	sdelay $0x3  }
0xd3: {  	v4 =	vsub.f32 v4, v38;
	v38 =	vadd.f32 v43, v41;
	v41 =	vmul.f32 v42, v46;
	v46 =	vld [tilespmem:$0x1FE40]  }
0xd4: {  	v43 =	vmul.f32 v42, v45;
	v45 =	vld [tilespmem:$0x1FE30];
	_ =	sdelay $0x4  }
0xd5: {  	v4 =	vand.u32 $0x7FFFFFFF, v4;
	v46 =	vmul.f32 v1, v46;
	v45 =	vmul.f32 v0, v45  }
0xd6: {  	v3 =	vadd.f32 v3, v4  }
0xd7: {  	v4 =	vsub.f32 v38, v41;
	v38 =	vadd.f32 v46, v45;
	v45 =	vld [tilespmem:$0x1FE60];
	_ =	sdelay $0x3  }
0xd8: {  	v46 =	vld [tilespmem:$0x1FE50]  }
0xd9: {  	v6 =	vsub.f32 v6, v43;
	v43 =	vmul.f32 v0, v45;
	v45 =	vld [tilespmem:$0x1FE70];
	_ =	sdelay $0x4  }
0xda: {  	v4 =	vand.u32 $0x7FFFFFFF, v4;
	v41 =	vmul.f32 v42, v46;
	v45 =	vmul.f32 v1, v45  }
0xdb: {  	v3 =	vadd.f32 v3, v4  }
0xdc: {  	v4 =	vsub.f32 v38, v41;
	v38 =	vadd.f32 v45, v43;
	v45 =	vld [tilespmem:$0x1FE90];
	_ =	sdelay $0x2  }
0xdd: {  	v46 =	vld [tilespmem:$0x1FE80]  }
0xde: {  	v6 =	vand.u32 $0x7FFFFFFF, v6  }
0xdf: {  	v3 =	vadd.f32 v3, v6;
	v6 =	vmul.f32 v0, v45;
	v45 =	vld [tilespmem:$0x1FEC0];
	_ =	sdelay $0x2  }
0xe0: {  	v41 =	vmul.f32 v42, v46  }
0xe1: {  	v46 =	vld [tilespmem:$0x1FEA0]  }
0xe2: {  	v38 =	vsub.f32 v38, v41;
	v41 =	vmul.f32 v0, v45;
	v45 =	vld [tilespmem:$0x1FEE0];
	_ =	sdelay $0x1  }
0xe3: {  	v4 =	vand.u32 $0x7FFFFFFF, v4  }
0xe4: {  	v3 =	vadd.f32 v3, v4  }
0xe5: {  	v43 =	vmul.f32 v1, v46;
	v46 =	vld [tilespmem:$0x1FED0];
	v38 =	vand.u32 $0x7FFFFFFF, v38  }
0xe6: {  	v3 =	vadd.f32 v3, v38;
	v38 =	vmul.f32 v0, v45;
	v45 =	vld [tilespmem:$0x1FEF0]  }
0xe7: {  	v4 =	vadd.f32 v43, v6;
	v43 =	vld [tilespmem:$0x1FEB0];
	_ =	sdelay $0x3  }
0xe8: {  	v45 =	vmul.f32 v1, v45  }
0xe9: {  	v6 =	vmul.f32 v42, v43;
	v43 =	vmul.f32 v1, v46;
	v46 =	vld [tilespmem:$0x1FF00]  }
0xea: {  	v38 =	vadd.f32 v45, v38;
	v45 =	vld [tilespmem:$0x1FF10];
	_ =	sdelay $0x3  }
0xeb: {  	v4 =	vsub.f32 v4, v6;
	v6 =	vadd.f32 v43, v41;
	v41 =	vmul.f32 v42, v46;
	v46 =	vld [tilespmem:$0x1FF30]  }
0xec: {  	v43 =	vmul.f32 v42, v45;
	v45 =	vld [tilespmem:$0x1FF20];
	_ =	sdelay $0x4  }
0xed: {  	v4 =	vand.u32 $0x7FFFFFFF, v4;
	v46 =	vmul.f32 v1, v46;
	v45 =	vmul.f32 v0, v45  }
0xee: {  	v3 =	vadd.f32 v3, v4;
	v4 =	vsub.f32 v6, v41  }
0xef: {  	v6 =	vsub.f32 v38, v43;
	v38 =	vadd.f32 v46, v45;
	v45 =	vld [tilespmem:$0x1FF50];
	_ =	sdelay $0x3  }
0xf0: {  	v46 =	vld [tilespmem:$0x1FF40]  }
0xf1: {  	v43 =	vmul.f32 v0, v45;
	v45 =	vld [tilespmem:$0x1FF60];
	_ =	sdelay $0x4  }
0xf2: {  	v4 =	vand.u32 $0x7FFFFFFF, v4;
	v41 =	vmul.f32 v42, v46;
	v46 =	vld [tilespmem:$0x1FF70];
	v45 =	vmul.f32 v1, v45  }
0xf3: {  	v3 =	vadd.f32 v3, v4  }
0xf4: {  	v4 =	vsub.f32 v38, v41;
	v38 =	vadd.f32 v45, v43;
	v45 =	vld [tilespmem:$0x1FF80];
	_ =	sdelay $0x2  }
0xf5: {  	v41 =	vmul.f32 v42, v46;
	v46 =	vld [tilespmem:$0x1FF90]  }
0xf6: {  	v6 =	vand.u32 $0x7FFFFFFF, v6  }
0xf7: {  	v3 =	vadd.f32 v3, v6;
	v6 =	vmul.f32 v0, v45;
	v45 =	vld [tilespmem:$0x1FFA0];
	_ =	sdelay $0x2  }
0xf8: {  	v43 =	vmul.f32 v1, v46;
	v46 =	vld [tilespmem:$0x1FFB0]  }
0xf9: {  	v36 =	vmul.f32 v0, v36;
	v4 =	vand.u32 $0x7FFFFFFF, v4  }
0xfa: {  	v3 =	vadd.f32 v3, v4;
	v4 =	vadd.f32 v43, v6;
	v6 =	vmul.f32 v42, v45;
	v45 =	vld [tilespmem:$0x1FFC0]  }
0xfb: {  	v30 =	vmul.f32 v0, v30;
	v28 =	vmul.f32 v0, v28  }
0xfc: {  	v25 =	vmul.f32 v0, v25;
	v21 =	vmul.f32 v0, v21  }
0xfd: {  	v15 =	vmul.f32 v0, v15;
	v38 =	vsub.f32 v38, v41;
	v41 =	vmul.f32 v0, v46;
	v46 =	vld [tilespmem:$0x1FFD0]  }
0xfe: {  	v13 =	vmul.f32 v0, v13;
	v10 =	vmul.f32 v0, v10  }
0xff: {  	v39 =	vmul.f32 v1, v39;
	v43 =	vmul.f32 v1, v45;
	v45 =	vld [tilespmem:$0x1FFE0]  }
0x100: {  	v47 =	vmul.f32 v1, v47;
	v35 =	vmul.f32 v1, v35  }
0x101: {  	v32 =	vmul.f32 v1, v32;
	v29 =	vmul.f32 v1, v29;
	v38 =	vand.u32 $0x7FFFFFFF, v38  }
0x102: {  	v40 =	vmul.f32 v42, v40;
	v3 =	vadd.f32 v3, v38;
	v38 =	vmul.f32 v0, v46  }
0x103: {  	v55 =	vmul.f32 v42, v55;
	v4 =	vsub.f32 v4, v6;
	v46 =	vmul.f32 v0, v44  }
0x104: {  	v38 =	vadd.f32 v39, v38;
	v6 =	vadd.f32 v43, v41;
	v39 =	vmul.f32 v42, v45  }
0x105: {  	v4 =	vand.u32 $0x7FFFFFFF, v4;
	v46 =	vadd.f32 v47, v46;
	v47 =	vmul.f32 v42, v48  }
0x106: {  	v3 =	vadd.f32 v3, v4;
	v48 =	vmul.f32 v0, v49;
	v44 =	vsub.f32 v6, v39  }
0x107: {  	v49 =	vmul.f32 v1, v50;
	v50 =	vsub.f32 v46, v47;
	v45 =	vsub.f32 v38, v40  }
0x108: {  	v46 =	vmul.f32 v0, v52;
	v47 =	vmul.f32 v1, v53;
	v4 =	vand.u32 $0x7FFFFFFF, v44  }
0x109: {  	v52 =	vmul.f32 v0, v58;
	v6 =	vand.u32 $0x7FFFFFFF, v45;
	v3 =	vadd.f32 v3, v4  }
0x10a: {  	v45 =	vmul.f32 v42, v51;
	v51 =	vmul.f32 v1, v57;
	v44 =	vadd.f32 v49, v48  }
0x10b: {  	v48 =	vadd.f32 v47, v46;
	v49 =	vmul.f32 v42, v54;
	v3 =	vadd.f32 v3, v6  }
0x10c: {  	v4 =	vand.u32 $0x7FFFFFFF, v50;
	v50 =	vmul.f32 v0, v56;
	v38 =	vsub.f32 v44, v45  }
0x10d: {  	v53 =	vmul.f32 v1, v60;
	v58 =	vmul.f32 v1, v63;
	v3 =	vadd.f32 v3, v4  }
0x10e: {  	v54 =	vadd.f32 v51, v50;
	v38 =	vand.u32 $0x7FFFFFFF, v38;
	v4 =	vsub.f32 v48, v49  }
0x10f: {  	v57 =	vmul.f32 v0, v61;
	v56 =	vmul.f32 v42, v59;
	v3 =	vadd.f32 v3, v38  }
0x110: {  	v59 =	vsub.f32 v54, v55;
	v38 =	vadd.f32 v53, v52;
	v4 =	vand.u32 $0x7FFFFFFF, v4  }
0x111: {  	v26 =	vmul.f32 v1, v26;
	v63 =	vmul.f32 v42, v62;
	v3 =	vadd.f32 v3, v4  }
0x112: {  	v61 =	vadd.f32 v58, v57;
	v60 =	vsub.f32 v38, v56;
	v4 =	vand.u32 $0x7FFFFFFF, v59  }
0x113: {  	v35 =	vadd.f32 v35, v36;
	v41 =	vmul.f32 v42, v37;
	v3 =	vadd.f32 v3, v4  }
0x114: {  	v43 =	vmul.f32 v0, v34;
	v40 =	vsub.f32 v61, v63;
	v6 =	vand.u32 $0x7FFFFFFF, v60  }
0x115: {  	v23 =	vmul.f32 v1, v23;
	v44 =	vsub.f32 v35, v41;
	v3 =	vadd.f32 v3, v6  }
0x116: {  	v46 =	vmul.f32 v42, v33;
	v45 =	vadd.f32 v32, v43;
	v4 =	vand.u32 $0x7FFFFFFF, v40  }
0x117: {  	v20 =	vmul.f32 v1, v20;
	v47 =	vand.u32 $0x7FFFFFFF, v44;
	v3 =	vadd.f32 v3, v4  }
0x118: {  	v48 =	vadd.f32 v29, v30;
	v49 =	vmul.f32 v42, v31;
	v4 =	vsub.f32 v45, v46  }
0x119: {  	v17 =	vmul.f32 v1, v17;
	v26 =	vadd.f32 v26, v28;
	v3 =	vadd.f32 v3, v47  }
0x11a: {  	v27 =	vmul.f32 v42, v27;
	v50 =	vsub.f32 v48, v49;
	v4 =	vand.u32 $0x7FFFFFFF, v4  }
0x11b: {  	v14 =	vmul.f32 v1, v14;
	v23 =	vadd.f32 v23, v25;
	v3 =	vadd.f32 v3, v4  }
0x11c: {  	v24 =	vmul.f32 v42, v24;
	v51 =	vsub.f32 v26, v27;
	v4 =	vand.u32 $0x7FFFFFFF, v50  }
0x11d: {  	v20 =	vadd.f32 v20, v21;
	v54 =	vmul.f32 v0, v19;
	v3 =	vadd.f32 v3, v4  }
0x11e: {  	v52 =	vsub.f32 v23, v24;
	v53 =	vmul.f32 v42, v22;
	v6 =	vand.u32 $0x7FFFFFFF, v51  }
0x11f: {  	v11 =	vmul.f32 v1, v11;
	v57 =	vmul.f32 v42, v18;
	v3 =	vadd.f32 v3, v6  }
0x120: {  	v55 =	vsub.f32 v20, v53;
	v56 =	vadd.f32 v17, v54;
	v4 =	vand.u32 $0x7FFFFFFF, v52  }
0x121: {  	v8 =	vmul.f32 v1, v8;
	v59 =	vadd.f32 v14, v15;
	v3 =	vadd.f32 v3, v4  }
0x122: {  	v58 =	vand.u32 $0x7FFFFFFF, v55;
	v60 =	vmul.f32 v42, v16;
	v4 =	vsub.f32 v56, v57  }
0x123: {  	v11 =	vadd.f32 v11, v13;
	v12 =	vmul.f32 v42, v12;
	v3 =	vadd.f32 v3, v58  }
0x124: {  	v8 =	vadd.f32 v8, v10;
	v61 =	vsub.f32 v59, v60;
	v4 =	vand.u32 $0x7FFFFFFF, v4  }
0x125: {  	v9 =	vmul.f32 v42, v9;
	v62 =	vsub.f32 v11, v12;
	v3 =	vadd.f32 v3, v4  }
0x126: {  	v1 =	vmul.f32 v1, v5;
	v0 =	vmul.f32 v0, v7;
	v4 =	vand.u32 $0x7FFFFFFF, v61  }
0x127: {  	v63 =	vsub.f32 v8, v9;
	v3 =	vadd.f32 v3, v4  }
0x128: {  	v0 =	vadd.f32 v1, v0;
	v1 =	vmul.f32 v42, v2;
	v2 =	vand.u32 $0x7FFFFFFF, v62  }
0x129: {  	v2 =	vadd.f32 v3, v2  }
0x12a: {  	p0 =	sne.s32 s16, $0x1F0;
	v0 =	vsub.f32 v0, v1;
	v1 =	vand.u32 $0x7FFFFFFF, v63  }
.Ltmp0:
0x12b: {  	v1 =	vadd.f32 v2, v1;
	(pc) =	sbr.rel @p0 .LBB2_2-.Ltmp0, $3  }
0x12c: {  	v0 =	vand.u32 $0x7FFFFFFF, v0  }
0x12d: {  	v0 =	vadd.f32 v1, v0;
	_ =	sdelay $0x1  }
0x12e: {  	s16 =	sadd.s32 $0x10, s16;
	v1 =	vld [tilespmem:$0x1FFF0];
	[tilespmem:s15+$0x0] =	vst v0;
	s15 =	sadd.s32 $0x10, s15  }
0x12f: {  	s13 =	sadd.s32 $0x1, s13  }
0x130: {  	p0 =	sne.s32 s13, s7  }
.Ltmp1:
0x131: {  	_ = 	snop;
	(pc) =	sbr.rel @p0 .LBB2_1-.Ltmp1, $4  }
0x132: {  	[hbm4b:s6+s2] =	stream.linear.scatter [tilespmem:s11], [sflag:$0x2], $0x200, $0x38;
	[tilespmem:$0xC800] =	vst v63  }
0x133: {  	_ =	swait.ge [sflag:s8], $0x200  }
0x134: {  	[sflag:s8] =	ssyncset.done $0x0  }
0x135: {  	[sflag:s8] =	ssyncadd.s32 $0xFFFFFE00  }
0x136: {  	_ =	sfence.sel $0x180000  }
0x137: {  	[bflag:$0x0] =	sbarrier.arrive $0xFFFF  }
0x138: {  	_ =	strace $0x90000047  }
0x139: {  	s0 =	stileid.u32;
	[bflag:$0x2] =	sbarrier.arrive $0xFFFF  }
0x13a: {  	p0 =	sne.s32 s0, $0x0;
	s0 =	rddreg [dreg:$0x2]  }
0x13b: {  	s0 =	sadd.s32 @!p0 $0x100000, s0  }
0x13c: {  	[sflag:s0] =	ssyncadd.tile.s32 @!p0 $0x1;
	_ =	shalt  }
.Lfunc_end2:
_tile_overlayer_lowered:
.L_overlay_start_2:
0x13d: {  	(tag) =	ssettag $0x2  }
0x13e: {  	s0 =	rddreg [dreg:$0x0];
	s2 =	stileid.u32  }
0x13f: {  	s1 =	rddreg [dreg:$0x1];
	p0 =	sne.s32 s2, $0x0  }
0x140: {  	s3 =	rddreg [dreg:$0x2];
	[bflag:$0x3] =	sbarrier.arrive $0xFFFF;
	s2 =	simm.s32 @!p0 $0x1C02  }
0x141: {  	[timem:s3], [sflag:s2] =	dma.local @!p0 [hbm:s0], s1  }
0x142: {  	s0 =	simm.s32 @!p0 $0x2  }
0x143: {  	_ =	swait.ge @!p0 [sflag:s0], s1  }
0x144: {  	s1 =	ssub.s32 @!p0 $0x0, s1;
	[sflag:s0] =	ssyncset.done @!p0 $0x0  }
0x145: {  	[sflag:s0] =	ssyncadd.s32 @!p0 s1  }
0x146: {  	[bflag:$0x3] =	sbarrier.arrive $0xFFFF  }
0x147: {  	_ =	shalt  }

</sc_bundles>
